<compile_context>
chip_gen: v7x
topology: tpu7x:2x2x1
jax: 0.10.2.dev20260603
libtpu: 0.0.44.dev20260713+nightly
codegen_flags: <defaults>
</compile_context>

<pallas_src>
import functools

import jax
import jax.numpy as jnp
from jax import lax
from jax.experimental import pallas as pl
from jax.experimental.pallas import tpu as pltpu
from jax.experimental.pallas import tpu_sc as plsc

_NC = 2
_NS = 16
_L = 16
_BLK = 128


def kernel(y, grid, inc):
    B, D = y.shape
    ninc = inc.shape[1]
    NW = _NC * _NS
    spw = B // NW
    ch = 2048
    nch = spw // ch
    ngrp = ch // _L
    gpb = _BLK // _L

    mesh = plsc.VectorSubcoreMesh(
        core_axis_name="c", subcore_axis_name="s",
        num_cores=_NC, num_subcores=_NS)

    @functools.partial(
        pl.kernel,
        out_type=(jax.ShapeDtypeStruct((B * D,), jnp.float32),
                  jax.ShapeDtypeStruct((B,), jnp.float32)),
        mesh=mesh,
        compiler_params=pltpu.CompilerParams(
            needs_layout_passes=False, use_tc_tiling_on_sc=False),
        scratch_types=[
            [pltpu.VMEM((ch * D,), jnp.float32)] * 2,
            [pltpu.VMEM((ch * D,), jnp.float32)] * 2,
            [pltpu.VMEM((ch,), jnp.float32)] * 2,
            pltpu.VMEM((D * (ninc + 1),), jnp.float32),
            pltpu.VMEM((D * (ninc + 1),), jnp.float32),
            [pltpu.SemaphoreType.DMA] * 2,
            [pltpu.SemaphoreType.DMA] * 2,
            [pltpu.SemaphoreType.DMA] * 2,
        ],
    )
    def vegas(y_hbm, grid_hbm, inc_hbm, x_hbm, jac_hbm,
              ybufs, xbufs, jbufs, gridv, incv, ysems, xsems, jsems):
        wid = lax.axis_index("s") * _NC + lax.axis_index("c")
        base_s = wid * spw
        pltpu.sync_copy(grid_hbm, gridv)
        pltpu.sync_copy(inc_hbm, incv)
        nincf = jnp.float32(ninc)
        jscale = jnp.float32(float(ninc) ** D)

        def y_in(c, b):
            pltpu.make_async_copy(
                y_hbm.at[pl.ds((base_s + c * ch) * D, ch * D)],
                ybufs[b], ysems[b]).start()

        y_in(0, 0)
        y_in(1, 1)

        def pair_body(i, carry):
            for b in range(2):
                c = i * 2 + b
                pltpu.make_async_copy(
                    y_hbm.at[pl.ds(0, ch * D)], ybufs[b], ysems[b]).wait()
                @pl.when(c >= 2)
                def _():
                    pltpu.make_async_copy(
                        xbufs[b], x_hbm.at[pl.ds(0, ch * D)],
                        xsems[b]).wait()
                    pltpu.make_async_copy(
                        jbufs[b], jac_hbm.at[pl.ds(0, ch)], jsems[b]).wait()

                @plsc.parallel_loop(0, ngrp, step=1, unroll=4)
                def grp(g):
                    kk = lax.shift_right_logical(g, 3)
                    jj = lax.bitwise_and(g, gpb - 1)
                    sb = kk * (_BLK * D) + jj * _L
                    jac = jnp.full((_L,), 1.0, jnp.float32)
                    for d in range(D):
                        yv = ybufs[b][pl.ds(sb + d * _BLK, _L)]
                        t = yv * nincf
                        iy = t.astype(jnp.int32)
                        dy = t - iy.astype(jnp.float32)
                        idx = iy + d * (ninc + 1)
                        gd = plsc.load_gather(gridv, [idx])
                        incd = plsc.load_gather(incv, [idx])
                        jac = jac * incd
                        xbufs[b][pl.ds(sb + d * _BLK, _L)] = gd + incd * dy
                    jbufs[b][pl.ds(kk * _BLK + jj * _L, _L)] = jac * jscale

                s0 = base_s + c * ch
                pltpu.make_async_copy(
                    xbufs[b], x_hbm.at[pl.ds(s0 * D, ch * D)],
                    xsems[b]).start()
                pltpu.make_async_copy(
                    jbufs[b], jac_hbm.at[pl.ds(s0, ch)], jsems[b]).start()

                @pl.when(c + 2 < nch)
                def _():
                    y_in(c + 2, b)
            return carry

        lax.fori_loop(0, nch // 2, pair_body, 0)
        for b in range(2):
            pltpu.make_async_copy(
                xbufs[b], x_hbm.at[pl.ds(0, ch * D)], xsems[b]).wait()
            pltpu.make_async_copy(
                jbufs[b], jac_hbm.at[pl.ds(0, ch)], jsems[b]).wait()

    nb = B // _BLK
    y_flat = y.reshape(nb, _BLK, D).transpose(0, 2, 1).reshape(B * D)
    grid_flat = grid.reshape(D * (ninc + 1))
    inc_flat = jnp.pad(inc, ((0, 0), (0, 1))).reshape(D * (ninc + 1))
    x_flat, jac = vegas(y_flat, grid_flat, inc_flat)
    x = x_flat.reshape(nb, D, _BLK).transpose(0, 2, 1).reshape(B, D)
    return x, jac

# --- scband reference (transcript-rebuilt; emitter-appended) ---
"""Pipeline reference for scband-vegas-map-7524782702847 (READ-ONLY COPY).

The authoritative reference and input builder live on the scoring server;
editing this copy changes nothing except your own understanding.
"""

import jax, jax.numpy as jnp
import numpy as np

DIM = 8
NINC = 1000
BATCH = 1048576


def setup_inputs(seed: int = 0) -> dict:
    key = jax.random.key(seed)
    k1, k2 = jax.random.split(key)
    # forward input: uniform samples in [0, 1)^DIM
    y = jax.random.uniform(k1, (BATCH, DIM), dtype=jnp.float32)
    # buffers from the adapted vegas map: non-uniform monotone grid per dim
    raw = jax.random.uniform(k2, (DIM, NINC), dtype=jnp.float32, minval=0.1, maxval=1.0)
    inc = raw / jnp.sum(raw, axis=1, keepdims=True)  # increments sum to 1 per dim
    grid = jnp.concatenate([jnp.zeros((DIM, 1), jnp.float32), jnp.cumsum(inc, axis=1)], axis=1)  # [DIM, NINC+1]
    return {"y": y, "grid": grid, "inc": inc}


def reference(y, grid, inc):
    ninc = NINC
    y_ninc = y * ninc
    iy = jnp.floor(y_ninc).astype(jnp.int32)  # [B, D]
    dy_ninc = y_ninc - iy.astype(y.dtype)
    mask = iy < ninc  # [B, D]
    # clipped indices so out-of-range lanes gather something valid (value unused where ~mask)
    iy_g = jnp.clip(iy, 0, ninc)
    iy_i = jnp.clip(iy, 0, ninc - 1)
    # grid[d, iy[:, d]] and inc[d, iy[:, d]] for every sample/dim (vectorized gather)
    gd = jnp.take_along_axis(grid, iy_g.T, axis=1).T  # [B, D]
    incd = jnp.take_along_axis(inc, iy_i.T, axis=1).T  # [B, D]
    x = jnp.where(mask, gd + incd * dy_ninc, grid[:, ninc][None, :])
    fac = jnp.where(mask, incd, inc[:, ninc - 1][None, :]) * ninc
    jac = jnp.prod(fac, axis=1)  # [B]
    return (x, jac)

if __name__ == "__main__":
    import jax
    _d = setup_inputs()
    print(jax.jit(kernel)(*tuple(_d.values())))

</pallas_src>

<mosaic_0001>
#map = affine_map<(d0, d1) -> (0)>
module attributes {stable_mosaic.version = 14 : i64} {
  func.func @vegas(%arg0: i32, %arg1: i32, %arg2: memref<8388608xf32, #tpu.memory_space<hbm>>, %arg3: memref<8008xf32, #tpu.memory_space<hbm>>, %arg4: memref<8008xf32, #tpu.memory_space<hbm>>, %arg5: memref<8388608xf32, #tpu.memory_space<hbm>>, %arg6: memref<1048576xf32, #tpu.memory_space<hbm>>, %arg7: memref<16384xf32, #tpu.memory_space<vmem>>, %arg8: memref<16384xf32, #tpu.memory_space<vmem>>, %arg9: memref<16384xf32, #tpu.memory_space<vmem>>, %arg10: memref<16384xf32, #tpu.memory_space<vmem>>, %arg11: memref<2048xf32, #tpu.memory_space<vmem>>, %arg12: memref<2048xf32, #tpu.memory_space<vmem>>, %arg13: memref<8008xf32, #tpu.memory_space<vmem>>, %arg14: memref<8008xf32, #tpu.memory_space<vmem>>, %arg15: memref<!tpu.dma_semaphore, #tpu.memory_space<semaphore_mem>>, %arg16: memref<!tpu.dma_semaphore, #tpu.memory_space<semaphore_mem>>, %arg17: memref<!tpu.dma_semaphore, #tpu.memory_space<semaphore_mem>>, %arg18: memref<!tpu.dma_semaphore, #tpu.memory_space<semaphore_mem>>, %arg19: memref<!tpu.dma_semaphore, #tpu.memory_space<semaphore_mem>>, %arg20: memref<!tpu.dma_semaphore, #tpu.memory_space<semaphore_mem>>) attributes {dimension_semantics = [#tpu.dimension_semantics<core_parallel>, #tpu.dimension_semantics<subcore_parallel>], iteration_bounds = array<i64: 2, 16>, scalar_prefetch = 0 : i64, scratch_operands = 14 : i64, tpu.core_type = #tpu.core_type<sc_vector_subcore>, window_params = [{transform_indices = #map}, {transform_indices = #map}, {transform_indices = #map}, {transform_indices = #map}, {transform_indices = #map}]} {
    %mul3A = arith.constant 2 : i32
    %mul3A_0 = arith.muli %arg1, %mul3A : i32
    %add3A = arith.addi %mul3A_0, %arg0 : i32
    %mul3A_1 = arith.constant 32768 : i32
    %mul3A_2 = arith.muli %add3A, %mul3A_1 : i32
    "tpu.region"() ({
      %run_scoped3A = tpu.sem_alloc : memref<!tpu.dma_semaphore, #tpu.memory_space<semaphore_mem>>
      tpu.enqueue_dma source(%arg3 : memref<8008xf32, #tpu.memory_space<hbm>>) target(%arg13 : memref<8008xf32, #tpu.memory_space<vmem>>) target_semaphore(%run_scoped3A : memref<!tpu.dma_semaphore, #tpu.memory_space<semaphore_mem>>)
      tpu.wait_dma2 semaphore(%run_scoped3A : memref<!tpu.dma_semaphore, #tpu.memory_space<semaphore_mem>>) src(%arg3 : memref<8008xf32, #tpu.memory_space<hbm>>) dst(%arg13 : memref<8008xf32, #tpu.memory_space<vmem>>)
      tpu.yield
    }) : () -> ()
    "tpu.region"() ({
      %run_scoped3A = tpu.sem_alloc : memref<!tpu.dma_semaphore, #tpu.memory_space<semaphore_mem>>
      tpu.enqueue_dma source(%arg4 : memref<8008xf32, #tpu.memory_space<hbm>>) target(%arg14 : memref<8008xf32, #tpu.memory_space<vmem>>) target_semaphore(%run_scoped3A : memref<!tpu.dma_semaphore, #tpu.memory_space<semaphore_mem>>)
      tpu.wait_dma2 semaphore(%run_scoped3A : memref<!tpu.dma_semaphore, #tpu.memory_space<semaphore_mem>>) src(%arg4 : memref<8008xf32, #tpu.memory_space<hbm>>) dst(%arg14 : memref<8008xf32, #tpu.memory_space<vmem>>)
      tpu.yield
    }) : () -> ()
    %add3A_3 = arith.constant 0 : i32
    %add3A_4 = arith.addi %mul3A_2, %add3A_3 : i32
    %mul3A_5 = arith.constant 8 : i32
    %mul3A_6 = arith.muli %add3A_4, %mul3A_5 : i32
    %dma_start3A = tpu.memref_slice %arg2[%mul3A_6] : memref<8388608xf32, #tpu.memory_space<hbm>> -> memref<16384xf32, #tpu.memory_space<hbm>>
    %dma_start3A_7 = tpu.memref_slice %arg2[%mul3A_6] : memref<8388608xf32, #tpu.memory_space<hbm>> -> memref<16384xf32, #tpu.memory_space<hbm>>
    tpu.enqueue_dma source(%dma_start3A_7 : memref<16384xf32, #tpu.memory_space<hbm>>) target(%arg7 : memref<16384xf32, #tpu.memory_space<vmem>>) target_semaphore(%arg15 : memref<!tpu.dma_semaphore, #tpu.memory_space<semaphore_mem>>)
    %add3A_8 = arith.constant 2048 : i32
    %add3A_9 = arith.addi %mul3A_2, %add3A_8 : i32
    %mul3A_10 = arith.constant 8 : i32
    %mul3A_11 = arith.muli %add3A_9, %mul3A_10 : i32
    %dma_start3A_12 = tpu.memref_slice %arg2[%mul3A_11] : memref<8388608xf32, #tpu.memory_space<hbm>> -> memref<16384xf32, #tpu.memory_space<hbm>>
    %dma_start3A_13 = tpu.memref_slice %arg2[%mul3A_11] : memref<8388608xf32, #tpu.memory_space<hbm>> -> memref<16384xf32, #tpu.memory_space<hbm>>
    tpu.enqueue_dma source(%dma_start3A_13 : memref<16384xf32, #tpu.memory_space<hbm>>) target(%arg8 : memref<16384xf32, #tpu.memory_space<vmem>>) target_semaphore(%arg16 : memref<!tpu.dma_semaphore, #tpu.memory_space<semaphore_mem>>)
    %scan3A = arith.constant 0 : i32
    %scan3A_14 = arith.constant 1.000000e+03 : f32
    %scan3A_15 = arith.constant 1.000000e+24 : f32
    %scan3A_16 = arith.constant 0 : i32
    %scan3A_17 = arith.constant 8 : i32
    %scan3A_18 = arith.addi %scan3A_16, %scan3A_17 : i32
    %scan3A_19 = arith.constant 1 : i32
    scf.for %scan3A_36 = %scan3A_16 to %scan3A_18 step %scan3A_19  : i32 {
      %mul3A_37 = arith.constant 2 : i32
      %mul3A_38 = arith.muli %scan3A_36, %mul3A_37 : i32
      %add3A_39 = arith.constant 0 : i32
      %add3A_40 = arith.addi %mul3A_38, %add3A_39 : i32
      %dma_wait3A_41 = arith.constant 0 : i32
      %dma_wait3A_42 = tpu.memref_slice %arg2[%dma_wait3A_41] : memref<8388608xf32, #tpu.memory_space<hbm>> -> memref<16384xf32, #tpu.memory_space<hbm>>
      %dma_wait3A_43 = arith.constant 0 : i32
      %dma_wait3A_44 = tpu.memref_slice %arg2[%dma_wait3A_43] : memref<8388608xf32, #tpu.memory_space<hbm>> -> memref<16384xf32, #tpu.memory_space<hbm>>
      tpu.wait_dma2 semaphore(%arg15 : memref<!tpu.dma_semaphore, #tpu.memory_space<semaphore_mem>>) src(%dma_wait3A_44 : memref<16384xf32, #tpu.memory_space<hbm>>) dst(%arg7 : memref<16384xf32, #tpu.memory_space<vmem>>)
      %ge3A = arith.constant 2 : i32
      %ge3A_45 = arith.cmpi sge, %add3A_40, %ge3A : i32
      %convert_element_type3A = arith.extui %ge3A_45 : i1 to i32
      %cond3A = arith.constant 0 : i32
      %cond3A_46 = arith.cmpi ne, %convert_element_type3A, %cond3A : i32
      scf.if %cond3A_46 {
        %dma_wait3A_96 = arith.constant 0 : i32
        %dma_wait3A_97 = tpu.memref_slice %arg5[%dma_wait3A_96] : memref<8388608xf32, #tpu.memory_space<hbm>> -> memref<16384xf32, #tpu.memory_space<hbm>>
        %dma_wait3A_98 = arith.constant 0 : i32
        %dma_wait3A_99 = tpu.memref_slice %arg5[%dma_wait3A_98] : memref<8388608xf32, #tpu.memory_space<hbm>> -> memref<16384xf32, #tpu.memory_space<hbm>>
        tpu.wait_dma2 semaphore(%arg17 : memref<!tpu.dma_semaphore, #tpu.memory_space<semaphore_mem>>) src(%arg9 : memref<16384xf32, #tpu.memory_space<vmem>>) dst(%dma_wait3A_99 : memref<16384xf32, #tpu.memory_space<hbm>>)
        %dma_wait3A_100 = arith.constant 0 : i32
        %dma_wait3A_101 = tpu.memref_slice %arg6[%dma_wait3A_100] : memref<1048576xf32, #tpu.memory_space<hbm>> -> memref<2048xf32, #tpu.memory_space<hbm>>
        %dma_wait3A_102 = arith.constant 0 : i32
        %dma_wait3A_103 = tpu.memref_slice %arg6[%dma_wait3A_102] : memref<1048576xf32, #tpu.memory_space<hbm>> -> memref<2048xf32, #tpu.memory_space<hbm>>
        tpu.wait_dma2 semaphore(%arg19 : memref<!tpu.dma_semaphore, #tpu.memory_space<semaphore_mem>>) src(%arg11 : memref<2048xf32, #tpu.memory_space<vmem>>) dst(%dma_wait3A_103 : memref<2048xf32, #tpu.memory_space<hbm>>)
      } else {
      }
      %parallel_loop3A = arith.constant 0 : i32
      %parallel_loop3A_47 = arith.constant 128 : i32
      %parallel_loop3A_48 = arith.constant 1 : i32
      scf.for %parallel_loop3A_96 = %parallel_loop3A to %parallel_loop3A_47 step %parallel_loop3A_48  : i32 {
        %parallel_loop3A_97 = arith.constant 3 : i32
        %parallel_loop3A_98 = arith.shrui %parallel_loop3A_96, %parallel_loop3A_97 : i32
        %parallel_loop3A_99 = arith.constant 7 : i32
        %parallel_loop3A_100 = arith.andi %parallel_loop3A_96, %parallel_loop3A_99 : i32
        %parallel_loop3A_101 = arith.constant 1024 : i32
        %parallel_loop3A_102 = arith.muli %parallel_loop3A_98, %parallel_loop3A_101 : i32
        %parallel_loop3A_103 = arith.constant 16 : i32
        %parallel_loop3A_104 = arith.muli %parallel_loop3A_100, %parallel_loop3A_103 : i32
        %parallel_loop3A_105 = arith.addi %parallel_loop3A_102, %parallel_loop3A_104 : i32
        %parallel_loop3A_106 = arith.constant 1.000000e+00 : f32
        %parallel_loop3A_107 = vector.broadcast %parallel_loop3A_106 : f32 to vector<16xf32>
        %parallel_loop3A_108 = arith.constant 0 : i32
        %parallel_loop3A_109 = arith.addi %parallel_loop3A_105, %parallel_loop3A_108 : i32
        %parallel_loop3A_110 = arith.index_cast %parallel_loop3A_109 : i32 to index
        %parallel_loop3A_111 = tpu.vector_load %arg7[%parallel_loop3A_110] {strides = array<i32>} : memref<16384xf32, #tpu.memory_space<vmem>>, vector<16xf32>,
        %parallel_loop3A_112 = vector.broadcast %scan3A_14 : f32 to vector<16xf32>
        %parallel_loop3A_113 = arith.mulf %parallel_loop3A_111, %parallel_loop3A_112 : vector<16xf32>
        %parallel_loop3A_114 = arith.fptosi %parallel_loop3A_113 : vector<16xf32> to vector<16xi32>
        %parallel_loop3A_115 = arith.sitofp %parallel_loop3A_114 : vector<16xi32> to vector<16xf32>
        %parallel_loop3A_116 = arith.subf %parallel_loop3A_113, %parallel_loop3A_115 : vector<16xf32>
        %parallel_loop3A_117 = arith.constant 0 : i32
        %parallel_loop3A_118 = vector.broadcast %parallel_loop3A_117 : i32 to vector<16xi32>
        %parallel_loop3A_119 = arith.addi %parallel_loop3A_114, %parallel_loop3A_118 : vector<16xi32>
        %parallel_loop3A_120 = tpu.vector_load_idx %arg13[%parallel_loop3A_119] : memref<8008xf32, #tpu.memory_space<vmem>>[vector<16xi32>], vector<16xf32>,
        %parallel_loop3A_121 = tpu.vector_load_idx %arg14[%parallel_loop3A_119] : memref<8008xf32, #tpu.memory_space<vmem>>[vector<16xi32>], vector<16xf32>,
        %parallel_loop3A_122 = arith.mulf %parallel_loop3A_107, %parallel_loop3A_121 : vector<16xf32>
        %parallel_loop3A_123 = arith.mulf %parallel_loop3A_121, %parallel_loop3A_116 : vector<16xf32>
        %parallel_loop3A_124 = arith.addf %parallel_loop3A_120, %parallel_loop3A_123 : vector<16xf32>
        %parallel_loop3A_125 = arith.constant 0 : i32
        %parallel_loop3A_126 = arith.addi %parallel_loop3A_105, %parallel_loop3A_125 : i32
        %parallel_loop3A_127 = arith.index_cast %parallel_loop3A_126 : i32 to index
        %parallel_loop3A_128 = tpu.vector_load %arg9[%parallel_loop3A_127] {strides = array<i32>} : memref<16384xf32, #tpu.memory_space<vmem>>, vector<16xf32>,
        tpu.vector_store %arg9[%parallel_loop3A_127], %parallel_loop3A_124 {strides = array<i32>} : memref<16384xf32, #tpu.memory_space<vmem>>, vector<16xf32>,
        %parallel_loop3A_129 = arith.constant 128 : i32
        %parallel_loop3A_130 = arith.addi %parallel_loop3A_105, %parallel_loop3A_129 : i32
        %parallel_loop3A_131 = arith.index_cast %parallel_loop3A_130 : i32 to index
        %parallel_loop3A_132 = tpu.vector_load %arg7[%parallel_loop3A_131] {strides = array<i32>} : memref<16384xf32, #tpu.memory_space<vmem>>, vector<16xf32>,
        %parallel_loop3A_133 = vector.broadcast %scan3A_14 : f32 to vector<16xf32>
        %parallel_loop3A_134 = arith.mulf %parallel_loop3A_132, %parallel_loop3A_133 : vector<16xf32>
        %parallel_loop3A_135 = arith.fptosi %parallel_loop3A_134 : vector<16xf32> to vector<16xi32>
        %parallel_loop3A_136 = arith.sitofp %parallel_loop3A_135 : vector<16xi32> to vector<16xf32>
        %parallel_loop3A_137 = arith.subf %parallel_loop3A_134, %parallel_loop3A_136 : vector<16xf32>
        %parallel_loop3A_138 = arith.constant 1001 : i32
        %parallel_loop3A_139 = vector.broadcast %parallel_loop3A_138 : i32 to vector<16xi32>
        %parallel_loop3A_140 = arith.addi %parallel_loop3A_135, %parallel_loop3A_139 : vector<16xi32>
        %parallel_loop3A_141 = tpu.vector_load_idx %arg13[%parallel_loop3A_140] : memref<8008xf32, #tpu.memory_space<vmem>>[vector<16xi32>], vector<16xf32>,
        %parallel_loop3A_142 = tpu.vector_load_idx %arg14[%parallel_loop3A_140] : memref<8008xf32, #tpu.memory_space<vmem>>[vector<16xi32>], vector<16xf32>,
        %parallel_loop3A_143 = arith.mulf %parallel_loop3A_122, %parallel_loop3A_142 : vector<16xf32>
        %parallel_loop3A_144 = arith.mulf %parallel_loop3A_142, %parallel_loop3A_137 : vector<16xf32>
        %parallel_loop3A_145 = arith.addf %parallel_loop3A_141, %parallel_loop3A_144 : vector<16xf32>
        %parallel_loop3A_146 = arith.constant 128 : i32
        %parallel_loop3A_147 = arith.addi %parallel_loop3A_105, %parallel_loop3A_146 : i32
        %parallel_loop3A_148 = arith.index_cast %parallel_loop3A_147 : i32 to index
        %parallel_loop3A_149 = tpu.vector_load %arg9[%parallel_loop3A_148] {strides = array<i32>} : memref<16384xf32, #tpu.memory_space<vmem>>, vector<16xf32>,
        tpu.vector_store %arg9[%parallel_loop3A_148], %parallel_loop3A_145 {strides = array<i32>} : memref<16384xf32, #tpu.memory_space<vmem>>, vector<16xf32>,
        %parallel_loop3A_150 = arith.constant 256 : i32
        %parallel_loop3A_151 = arith.addi %parallel_loop3A_105, %parallel_loop3A_150 : i32
        %parallel_loop3A_152 = arith.index_cast %parallel_loop3A_151 : i32 to index
        %parallel_loop3A_153 = tpu.vector_load %arg7[%parallel_loop3A_152] {strides = array<i32>} : memref<16384xf32, #tpu.memory_space<vmem>>, vector<16xf32>,
        %parallel_loop3A_154 = vector.broadcast %scan3A_14 : f32 to vector<16xf32>
        %parallel_loop3A_155 = arith.mulf %parallel_loop3A_153, %parallel_loop3A_154 : vector<16xf32>
        %parallel_loop3A_156 = arith.fptosi %parallel_loop3A_155 : vector<16xf32> to vector<16xi32>
        %parallel_loop3A_157 = arith.sitofp %parallel_loop3A_156 : vector<16xi32> to vector<16xf32>
        %parallel_loop3A_158 = arith.subf %parallel_loop3A_155, %parallel_loop3A_157 : vector<16xf32>
        %parallel_loop3A_159 = arith.constant 2002 : i32
        %parallel_loop3A_160 = vector.broadcast %parallel_loop3A_159 : i32 to vector<16xi32>
        %parallel_loop3A_161 = arith.addi %parallel_loop3A_156, %parallel_loop3A_160 : vector<16xi32>
        %parallel_loop3A_162 = tpu.vector_load_idx %arg13[%parallel_loop3A_161] : memref<8008xf32, #tpu.memory_space<vmem>>[vector<16xi32>], vector<16xf32>,
        %parallel_loop3A_163 = tpu.vector_load_idx %arg14[%parallel_loop3A_161] : memref<8008xf32, #tpu.memory_space<vmem>>[vector<16xi32>], vector<16xf32>,
        %parallel_loop3A_164 = arith.mulf %parallel_loop3A_143, %parallel_loop3A_163 : vector<16xf32>
        %parallel_loop3A_165 = arith.mulf %parallel_loop3A_163, %parallel_loop3A_158 : vector<16xf32>
        %parallel_loop3A_166 = arith.addf %parallel_loop3A_162, %parallel_loop3A_165 : vector<16xf32>
        %parallel_loop3A_167 = arith.constant 256 : i32
        %parallel_loop3A_168 = arith.addi %parallel_loop3A_105, %parallel_loop3A_167 : i32
        %parallel_loop3A_169 = arith.index_cast %parallel_loop3A_168 : i32 to index
        %parallel_loop3A_170 = tpu.vector_load %arg9[%parallel_loop3A_169] {strides = array<i32>} : memref<16384xf32, #tpu.memory_space<vmem>>, vector<16xf32>,
        tpu.vector_store %arg9[%parallel_loop3A_169], %parallel_loop3A_166 {strides = array<i32>} : memref<16384xf32, #tpu.memory_space<vmem>>, vector<16xf32>,
        %parallel_loop3A_171 = arith.constant 384 : i32
        %parallel_loop3A_172 = arith.addi %parallel_loop3A_105, %parallel_loop3A_171 : i32
        %parallel_loop3A_173 = arith.index_cast %parallel_loop3A_172 : i32 to index
        %parallel_loop3A_174 = tpu.vector_load %arg7[%parallel_loop3A_173] {strides = array<i32>} : memref<16384xf32, #tpu.memory_space<vmem>>, vector<16xf32>,
        %parallel_loop3A_175 = vector.broadcast %scan3A_14 : f32 to vector<16xf32>
        %parallel_loop3A_176 = arith.mulf %parallel_loop3A_174, %parallel_loop3A_175 : vector<16xf32>
        %parallel_loop3A_177 = arith.fptosi %parallel_loop3A_176 : vector<16xf32> to vector<16xi32>
        %parallel_loop3A_178 = arith.sitofp %parallel_loop3A_177 : vector<16xi32> to vector<16xf32>
        %parallel_loop3A_179 = arith.subf %parallel_loop3A_176, %parallel_loop3A_178 : vector<16xf32>
        %parallel_loop3A_180 = arith.constant 3003 : i32
        %parallel_loop3A_181 = vector.broadcast %parallel_loop3A_180 : i32 to vector<16xi32>
        %parallel_loop3A_182 = arith.addi %parallel_loop3A_177, %parallel_loop3A_181 : vector<16xi32>
        %parallel_loop3A_183 = tpu.vector_load_idx %arg13[%parallel_loop3A_182] : memref<8008xf32, #tpu.memory_space<vmem>>[vector<16xi32>], vector<16xf32>,
        %parallel_loop3A_184 = tpu.vector_load_idx %arg14[%parallel_loop3A_182] : memref<8008xf32, #tpu.memory_space<vmem>>[vector<16xi32>], vector<16xf32>,
        %parallel_loop3A_185 = arith.mulf %parallel_loop3A_164, %parallel_loop3A_184 : vector<16xf32>
        %parallel_loop3A_186 = arith.mulf %parallel_loop3A_184, %parallel_loop3A_179 : vector<16xf32>
        %parallel_loop3A_187 = arith.addf %parallel_loop3A_183, %parallel_loop3A_186 : vector<16xf32>
        %parallel_loop3A_188 = arith.constant 384 : i32
        %parallel_loop3A_189 = arith.addi %parallel_loop3A_105, %parallel_loop3A_188 : i32
        %parallel_loop3A_190 = arith.index_cast %parallel_loop3A_189 : i32 to index
        %parallel_loop3A_191 = tpu.vector_load %arg9[%parallel_loop3A_190] {strides = array<i32>} : memref<16384xf32, #tpu.memory_space<vmem>>, vector<16xf32>,
        tpu.vector_store %arg9[%parallel_loop3A_190], %parallel_loop3A_187 {strides = array<i32>} : memref<16384xf32, #tpu.memory_space<vmem>>, vector<16xf32>,
        %parallel_loop3A_192 = arith.constant 512 : i32
        %parallel_loop3A_193 = arith.addi %parallel_loop3A_105, %parallel_loop3A_192 : i32
        %parallel_loop3A_194 = arith.index_cast %parallel_loop3A_193 : i32 to index
        %parallel_loop3A_195 = tpu.vector_load %arg7[%parallel_loop3A_194] {strides = array<i32>} : memref<16384xf32, #tpu.memory_space<vmem>>, vector<16xf32>,
        %parallel_loop3A_196 = vector.broadcast %scan3A_14 : f32 to vector<16xf32>
        %parallel_loop3A_197 = arith.mulf %parallel_loop3A_195, %parallel_loop3A_196 : vector<16xf32>
        %parallel_loop3A_198 = arith.fptosi %parallel_loop3A_197 : vector<16xf32> to vector<16xi32>
        %parallel_loop3A_199 = arith.sitofp %parallel_loop3A_198 : vector<16xi32> to vector<16xf32>
        %parallel_loop3A_200 = arith.subf %parallel_loop3A_197, %parallel_loop3A_199 : vector<16xf32>
        %parallel_loop3A_201 = arith.constant 4004 : i32
        %parallel_loop3A_202 = vector.broadcast %parallel_loop3A_201 : i32 to vector<16xi32>
        %parallel_loop3A_203 = arith.addi %parallel_loop3A_198, %parallel_loop3A_202 : vector<16xi32>
        %parallel_loop3A_204 = tpu.vector_load_idx %arg13[%parallel_loop3A_203] : memref<8008xf32, #tpu.memory_space<vmem>>[vector<16xi32>], vector<16xf32>,
        %parallel_loop3A_205 = tpu.vector_load_idx %arg14[%parallel_loop3A_203] : memref<8008xf32, #tpu.memory_space<vmem>>[vector<16xi32>], vector<16xf32>,
        %parallel_loop3A_206 = arith.mulf %parallel_loop3A_185, %parallel_loop3A_205 : vector<16xf32>
        %parallel_loop3A_207 = arith.mulf %parallel_loop3A_205, %parallel_loop3A_200 : vector<16xf32>
        %parallel_loop3A_208 = arith.addf %parallel_loop3A_204, %parallel_loop3A_207 : vector<16xf32>
        %parallel_loop3A_209 = arith.constant 512 : i32
        %parallel_loop3A_210 = arith.addi %parallel_loop3A_105, %parallel_loop3A_209 : i32
        %parallel_loop3A_211 = arith.index_cast %parallel_loop3A_210 : i32 to index
        %parallel_loop3A_212 = tpu.vector_load %arg9[%parallel_loop3A_211] {strides = array<i32>} : memref<16384xf32, #tpu.memory_space<vmem>>, vector<16xf32>,
        tpu.vector_store %arg9[%parallel_loop3A_211], %parallel_loop3A_208 {strides = array<i32>} : memref<16384xf32, #tpu.memory_space<vmem>>, vector<16xf32>,
        %parallel_loop3A_213 = arith.constant 640 : i32
        %parallel_loop3A_214 = arith.addi %parallel_loop3A_105, %parallel_loop3A_213 : i32
        %parallel_loop3A_215 = arith.index_cast %parallel_loop3A_214 : i32 to index
        %parallel_loop3A_216 = tpu.vector_load %arg7[%parallel_loop3A_215] {strides = array<i32>} : memref<16384xf32, #tpu.memory_space<vmem>>, vector<16xf32>,
        %parallel_loop3A_217 = vector.broadcast %scan3A_14 : f32 to vector<16xf32>
        %parallel_loop3A_218 = arith.mulf %parallel_loop3A_216, %parallel_loop3A_217 : vector<16xf32>
        %parallel_loop3A_219 = arith.fptosi %parallel_loop3A_218 : vector<16xf32> to vector<16xi32>
        %parallel_loop3A_220 = arith.sitofp %parallel_loop3A_219 : vector<16xi32> to vector<16xf32>
        %parallel_loop3A_221 = arith.subf %parallel_loop3A_218, %parallel_loop3A_220 : vector<16xf32>
        %parallel_loop3A_222 = arith.constant 5005 : i32
        %parallel_loop3A_223 = vector.broadcast %parallel_loop3A_222 : i32 to vector<16xi32>
        %parallel_loop3A_224 = arith.addi %parallel_loop3A_219, %parallel_loop3A_223 : vector<16xi32>
        %parallel_loop3A_225 = tpu.vector_load_idx %arg13[%parallel_loop3A_224] : memref<8008xf32, #tpu.memory_space<vmem>>[vector<16xi32>], vector<16xf32>,
        %parallel_loop3A_226 = tpu.vector_load_idx %arg14[%parallel_loop3A_224] : memref<8008xf32, #tpu.memory_space<vmem>>[vector<16xi32>], vector<16xf32>,
        %parallel_loop3A_227 = arith.mulf %parallel_loop3A_206, %parallel_loop3A_226 : vector<16xf32>
        %parallel_loop3A_228 = arith.mulf %parallel_loop3A_226, %parallel_loop3A_221 : vector<16xf32>
        %parallel_loop3A_229 = arith.addf %parallel_loop3A_225, %parallel_loop3A_228 : vector<16xf32>
        %parallel_loop3A_230 = arith.constant 640 : i32
        %parallel_loop3A_231 = arith.addi %parallel_loop3A_105, %parallel_loop3A_230 : i32
        %parallel_loop3A_232 = arith.index_cast %parallel_loop3A_231 : i32 to index
        %parallel_loop3A_233 = tpu.vector_load %arg9[%parallel_loop3A_232] {strides = array<i32>} : memref<16384xf32, #tpu.memory_space<vmem>>, vector<16xf32>,
        tpu.vector_store %arg9[%parallel_loop3A_232], %parallel_loop3A_229 {strides = array<i32>} : memref<16384xf32, #tpu.memory_space<vmem>>, vector<16xf32>,
        %parallel_loop3A_234 = arith.constant 768 : i32
        %parallel_loop3A_235 = arith.addi %parallel_loop3A_105, %parallel_loop3A_234 : i32
        %parallel_loop3A_236 = arith.index_cast %parallel_loop3A_235 : i32 to index
        %parallel_loop3A_237 = tpu.vector_load %arg7[%parallel_loop3A_236] {strides = array<i32>} : memref<16384xf32, #tpu.memory_space<vmem>>, vector<16xf32>,
        %parallel_loop3A_238 = vector.broadcast %scan3A_14 : f32 to vector<16xf32>
        %parallel_loop3A_239 = arith.mulf %parallel_loop3A_237, %parallel_loop3A_238 : vector<16xf32>
        %parallel_loop3A_240 = arith.fptosi %parallel_loop3A_239 : vector<16xf32> to vector<16xi32>
        %parallel_loop3A_241 = arith.sitofp %parallel_loop3A_240 : vector<16xi32> to vector<16xf32>
        %parallel_loop3A_242 = arith.subf %parallel_loop3A_239, %parallel_loop3A_241 : vector<16xf32>
        %parallel_loop3A_243 = arith.constant 6006 : i32
        %parallel_loop3A_244 = vector.broadcast %parallel_loop3A_243 : i32 to vector<16xi32>
        %parallel_loop3A_245 = arith.addi %parallel_loop3A_240, %parallel_loop3A_244 : vector<16xi32>
        %parallel_loop3A_246 = tpu.vector_load_idx %arg13[%parallel_loop3A_245] : memref<8008xf32, #tpu.memory_space<vmem>>[vector<16xi32>], vector<16xf32>,
        %parallel_loop3A_247 = tpu.vector_load_idx %arg14[%parallel_loop3A_245] : memref<8008xf32, #tpu.memory_space<vmem>>[vector<16xi32>], vector<16xf32>,
        %parallel_loop3A_248 = arith.mulf %parallel_loop3A_227, %parallel_loop3A_247 : vector<16xf32>
        %parallel_loop3A_249 = arith.mulf %parallel_loop3A_247, %parallel_loop3A_242 : vector<16xf32>
        %parallel_loop3A_250 = arith.addf %parallel_loop3A_246, %parallel_loop3A_249 : vector<16xf32>
        %parallel_loop3A_251 = arith.constant 768 : i32
        %parallel_loop3A_252 = arith.addi %parallel_loop3A_105, %parallel_loop3A_251 : i32
        %parallel_loop3A_253 = arith.index_cast %parallel_loop3A_252 : i32 to index
        %parallel_loop3A_254 = tpu.vector_load %arg9[%parallel_loop3A_253] {strides = array<i32>} : memref<16384xf32, #tpu.memory_space<vmem>>, vector<16xf32>,
        tpu.vector_store %arg9[%parallel_loop3A_253], %parallel_loop3A_250 {strides = array<i32>} : memref<16384xf32, #tpu.memory_space<vmem>>, vector<16xf32>,
        %parallel_loop3A_255 = arith.constant 896 : i32
        %parallel_loop3A_256 = arith.addi %parallel_loop3A_105, %parallel_loop3A_255 : i32
        %parallel_loop3A_257 = arith.index_cast %parallel_loop3A_256 : i32 to index
        %parallel_loop3A_258 = tpu.vector_load %arg7[%parallel_loop3A_257] {strides = array<i32>} : memref<16384xf32, #tpu.memory_space<vmem>>, vector<16xf32>,
        %parallel_loop3A_259 = vector.broadcast %scan3A_14 : f32 to vector<16xf32>
        %parallel_loop3A_260 = arith.mulf %parallel_loop3A_258, %parallel_loop3A_259 : vector<16xf32>
        %parallel_loop3A_261 = arith.fptosi %parallel_loop3A_260 : vector<16xf32> to vector<16xi32>
        %parallel_loop3A_262 = arith.sitofp %parallel_loop3A_261 : vector<16xi32> to vector<16xf32>
        %parallel_loop3A_263 = arith.subf %parallel_loop3A_260, %parallel_loop3A_262 : vector<16xf32>
        %parallel_loop3A_264 = arith.constant 7007 : i32
        %parallel_loop3A_265 = vector.broadcast %parallel_loop3A_264 : i32 to vector<16xi32>
        %parallel_loop3A_266 = arith.addi %parallel_loop3A_261, %parallel_loop3A_265 : vector<16xi32>
        %parallel_loop3A_267 = tpu.vector_load_idx %arg13[%parallel_loop3A_266] : memref<8008xf32, #tpu.memory_space<vmem>>[vector<16xi32>], vector<16xf32>,
        %parallel_loop3A_268 = tpu.vector_load_idx %arg14[%parallel_loop3A_266] : memref<8008xf32, #tpu.memory_space<vmem>>[vector<16xi32>], vector<16xf32>,
        %parallel_loop3A_269 = arith.mulf %parallel_loop3A_248, %parallel_loop3A_268 : vector<16xf32>
        %parallel_loop3A_270 = arith.mulf %parallel_loop3A_268, %parallel_loop3A_263 : vector<16xf32>
        %parallel_loop3A_271 = arith.addf %parallel_loop3A_267, %parallel_loop3A_270 : vector<16xf32>
        %parallel_loop3A_272 = arith.constant 896 : i32
        %parallel_loop3A_273 = arith.addi %parallel_loop3A_105, %parallel_loop3A_272 : i32
        %parallel_loop3A_274 = arith.index_cast %parallel_loop3A_273 : i32 to index
        %parallel_loop3A_275 = tpu.vector_load %arg9[%parallel_loop3A_274] {strides = array<i32>} : memref<16384xf32, #tpu.memory_space<vmem>>, vector<16xf32>,
        tpu.vector_store %arg9[%parallel_loop3A_274], %parallel_loop3A_271 {strides = array<i32>} : memref<16384xf32, #tpu.memory_space<vmem>>, vector<16xf32>,
        %parallel_loop3A_276 = vector.broadcast %scan3A_15 : f32 to vector<16xf32>
        %parallel_loop3A_277 = arith.mulf %parallel_loop3A_269, %parallel_loop3A_276 : vector<16xf32>
        %parallel_loop3A_278 = arith.constant 128 : i32
        %parallel_loop3A_279 = arith.muli %parallel_loop3A_98, %parallel_loop3A_278 : i32
        %parallel_loop3A_280 = arith.constant 16 : i32
        %parallel_loop3A_281 = arith.muli %parallel_loop3A_100, %parallel_loop3A_280 : i32
        %parallel_loop3A_282 = arith.addi %parallel_loop3A_279, %parallel_loop3A_281 : i32
        %parallel_loop3A_283 = arith.index_cast %parallel_loop3A_282 : i32 to index
        %parallel_loop3A_284 = tpu.vector_load %arg11[%parallel_loop3A_283] {strides = array<i32>} : memref<2048xf32, #tpu.memory_space<vmem>>, vector<16xf32>,
        tpu.vector_store %arg11[%parallel_loop3A_283], %parallel_loop3A_277 {strides = array<i32>} : memref<2048xf32, #tpu.memory_space<vmem>>, vector<16xf32>,
      } {sc.loop_unroll_factor = 4 : i64, sc.parallel_access}
      %mul3A_49 = arith.constant 2048 : i32
      %mul3A_50 = arith.muli %add3A_40, %mul3A_49 : i32
      %add3A_51 = arith.addi %mul3A_2, %mul3A_50 : i32
      %mul3A_52 = arith.constant 8 : i32
      %mul3A_53 = arith.muli %add3A_51, %mul3A_52 : i32
      %dma_start3A_54 = tpu.memref_slice %arg5[%mul3A_53] : memref<8388608xf32, #tpu.memory_space<hbm>> -> memref<16384xf32, #tpu.memory_space<hbm>>
      %dma_start3A_55 = tpu.memref_slice %arg5[%mul3A_53] : memref<8388608xf32, #tpu.memory_space<hbm>> -> memref<16384xf32, #tpu.memory_space<hbm>>
      tpu.enqueue_dma source(%arg9 : memref<16384xf32, #tpu.memory_space<vmem>>) target(%dma_start3A_55 : memref<16384xf32, #tpu.memory_space<hbm>>) target_semaphore(%arg17 : memref<!tpu.dma_semaphore, #tpu.memory_space<semaphore_mem>>)
      %dma_start3A_56 = tpu.memref_slice %arg6[%add3A_51] : memref<1048576xf32, #tpu.memory_space<hbm>> -> memref<2048xf32, #tpu.memory_space<hbm>>
      %dma_start3A_57 = tpu.memref_slice %arg6[%add3A_51] : memref<1048576xf32, #tpu.memory_space<hbm>> -> memref<2048xf32, #tpu.memory_space<hbm>>
      tpu.enqueue_dma source(%arg11 : memref<2048xf32, #tpu.memory_space<vmem>>) target(%dma_start3A_57 : memref<2048xf32, #tpu.memory_space<hbm>>) target_semaphore(%arg19 : memref<!tpu.dma_semaphore, #tpu.memory_space<semaphore_mem>>)
      %add3A_58 = arith.constant 2 : i32
      %add3A_59 = arith.addi %add3A_40, %add3A_58 : i32
      %lt3A = arith.constant 16 : i32
      %lt3A_60 = arith.cmpi slt, %add3A_59, %lt3A : i32
      %convert_element_type3A_61 = arith.extui %lt3A_60 : i1 to i32
      %cond3A_62 = arith.constant 0 : i32
      %cond3A_63 = arith.cmpi ne, %convert_element_type3A_61, %cond3A_62 : i32
      scf.if %cond3A_63 {
        %add3A_96 = arith.constant 2 : i32
        %add3A_97 = arith.addi %add3A_40, %add3A_96 : i32
        %mul3A_98 = arith.constant 2048 : i32
        %mul3A_99 = arith.muli %add3A_97, %mul3A_98 : i32
        %add3A_100 = arith.addi %mul3A_2, %mul3A_99 : i32
        %mul3A_101 = arith.constant 8 : i32
        %mul3A_102 = arith.muli %add3A_100, %mul3A_101 : i32
        %dma_start3A_103 = tpu.memref_slice %arg2[%mul3A_102] : memref<8388608xf32, #tpu.memory_space<hbm>> -> memref<16384xf32, #tpu.memory_space<hbm>>
        %dma_start3A_104 = tpu.memref_slice %arg2[%mul3A_102] : memref<8388608xf32, #tpu.memory_space<hbm>> -> memref<16384xf32, #tpu.memory_space<hbm>>
        tpu.enqueue_dma source(%dma_start3A_104 : memref<16384xf32, #tpu.memory_space<hbm>>) target(%arg7 : memref<16384xf32, #tpu.memory_space<vmem>>) target_semaphore(%arg15 : memref<!tpu.dma_semaphore, #tpu.memory_space<semaphore_mem>>)
      } else {
      }
      %mul3A_64 = arith.constant 2 : i32
      %mul3A_65 = arith.muli %scan3A_36, %mul3A_64 : i32
      %add3A_66 = arith.constant 1 : i32
      %add3A_67 = arith.addi %mul3A_65, %add3A_66 : i32
      %dma_wait3A_68 = arith.constant 0 : i32
      %dma_wait3A_69 = tpu.memref_slice %arg2[%dma_wait3A_68] : memref<8388608xf32, #tpu.memory_space<hbm>> -> memref<16384xf32, #tpu.memory_space<hbm>>
      %dma_wait3A_70 = arith.constant 0 : i32
      %dma_wait3A_71 = tpu.memref_slice %arg2[%dma_wait3A_70] : memref<8388608xf32, #tpu.memory_space<hbm>> -> memref<16384xf32, #tpu.memory_space<hbm>>
      tpu.wait_dma2 semaphore(%arg16 : memref<!tpu.dma_semaphore, #tpu.memory_space<semaphore_mem>>) src(%dma_wait3A_71 : memref<16384xf32, #tpu.memory_space<hbm>>) dst(%arg8 : memref<16384xf32, #tpu.memory_space<vmem>>)
      %ge3A_72 = arith.constant 2 : i32
      %ge3A_73 = arith.cmpi sge, %add3A_67, %ge3A_72 : i32
      %convert_element_type3A_74 = arith.extui %ge3A_73 : i1 to i32
      %cond3A_75 = arith.constant 0 : i32
      %cond3A_76 = arith.cmpi ne, %convert_element_type3A_74, %cond3A_75 : i32
      scf.if %cond3A_76 {
        %dma_wait3A_96 = arith.constant 0 : i32
        %dma_wait3A_97 = tpu.memref_slice %arg5[%dma_wait3A_96] : memref<8388608xf32, #tpu.memory_space<hbm>> -> memref<16384xf32, #tpu.memory_space<hbm>>
        %dma_wait3A_98 = arith.constant 0 : i32
        %dma_wait3A_99 = tpu.memref_slice %arg5[%dma_wait3A_98] : memref<8388608xf32, #tpu.memory_space<hbm>> -> memref<16384xf32, #tpu.memory_space<hbm>>
        tpu.wait_dma2 semaphore(%arg18 : memref<!tpu.dma_semaphore, #tpu.memory_space<semaphore_mem>>) src(%arg10 : memref<16384xf32, #tpu.memory_space<vmem>>) dst(%dma_wait3A_99 : memref<16384xf32, #tpu.memory_space<hbm>>)
        %dma_wait3A_100 = arith.constant 0 : i32
        %dma_wait3A_101 = tpu.memref_slice %arg6[%dma_wait3A_100] : memref<1048576xf32, #tpu.memory_space<hbm>> -> memref<2048xf32, #tpu.memory_space<hbm>>
        %dma_wait3A_102 = arith.constant 0 : i32
        %dma_wait3A_103 = tpu.memref_slice %arg6[%dma_wait3A_102] : memref<1048576xf32, #tpu.memory_space<hbm>> -> memref<2048xf32, #tpu.memory_space<hbm>>
        tpu.wait_dma2 semaphore(%arg20 : memref<!tpu.dma_semaphore, #tpu.memory_space<semaphore_mem>>) src(%arg12 : memref<2048xf32, #tpu.memory_space<vmem>>) dst(%dma_wait3A_103 : memref<2048xf32, #tpu.memory_space<hbm>>)
      } else {
      }
      %parallel_loop3A_77 = arith.constant 0 : i32
      %parallel_loop3A_78 = arith.constant 128 : i32
      %parallel_loop3A_79 = arith.constant 1 : i32
      scf.for %parallel_loop3A_96 = %parallel_loop3A_77 to %parallel_loop3A_78 step %parallel_loop3A_79  : i32 {
        %parallel_loop3A_97 = arith.constant 3 : i32
        %parallel_loop3A_98 = arith.shrui %parallel_loop3A_96, %parallel_loop3A_97 : i32
        %parallel_loop3A_99 = arith.constant 7 : i32
        %parallel_loop3A_100 = arith.andi %parallel_loop3A_96, %parallel_loop3A_99 : i32
        %parallel_loop3A_101 = arith.constant 1024 : i32
        %parallel_loop3A_102 = arith.muli %parallel_loop3A_98, %parallel_loop3A_101 : i32
        %parallel_loop3A_103 = arith.constant 16 : i32
        %parallel_loop3A_104 = arith.muli %parallel_loop3A_100, %parallel_loop3A_103 : i32
        %parallel_loop3A_105 = arith.addi %parallel_loop3A_102, %parallel_loop3A_104 : i32
        %parallel_loop3A_106 = arith.constant 1.000000e+00 : f32
        %parallel_loop3A_107 = vector.broadcast %parallel_loop3A_106 : f32 to vector<16xf32>
        %parallel_loop3A_108 = arith.constant 0 : i32
        %parallel_loop3A_109 = arith.addi %parallel_loop3A_105, %parallel_loop3A_108 : i32
        %parallel_loop3A_110 = arith.index_cast %parallel_loop3A_109 : i32 to index
        %parallel_loop3A_111 = tpu.vector_load %arg8[%parallel_loop3A_110] {strides = array<i32>} : memref<16384xf32, #tpu.memory_space<vmem>>, vector<16xf32>,
        %parallel_loop3A_112 = vector.broadcast %scan3A_14 : f32 to vector<16xf32>
        %parallel_loop3A_113 = arith.mulf %parallel_loop3A_111, %parallel_loop3A_112 : vector<16xf32>
        %parallel_loop3A_114 = arith.fptosi %parallel_loop3A_113 : vector<16xf32> to vector<16xi32>
        %parallel_loop3A_115 = arith.sitofp %parallel_loop3A_114 : vector<16xi32> to vector<16xf32>
        %parallel_loop3A_116 = arith.subf %parallel_loop3A_113, %parallel_loop3A_115 : vector<16xf32>
        %parallel_loop3A_117 = arith.constant 0 : i32
        %parallel_loop3A_118 = vector.broadcast %parallel_loop3A_117 : i32 to vector<16xi32>
        %parallel_loop3A_119 = arith.addi %parallel_loop3A_114, %parallel_loop3A_118 : vector<16xi32>
        %parallel_loop3A_120 = tpu.vector_load_idx %arg13[%parallel_loop3A_119] : memref<8008xf32, #tpu.memory_space<vmem>>[vector<16xi32>], vector<16xf32>,
        %parallel_loop3A_121 = tpu.vector_load_idx %arg14[%parallel_loop3A_119] : memref<8008xf32, #tpu.memory_space<vmem>>[vector<16xi32>], vector<16xf32>,
        %parallel_loop3A_122 = arith.mulf %parallel_loop3A_107, %parallel_loop3A_121 : vector<16xf32>
        %parallel_loop3A_123 = arith.mulf %parallel_loop3A_121, %parallel_loop3A_116 : vector<16xf32>
        %parallel_loop3A_124 = arith.addf %parallel_loop3A_120, %parallel_loop3A_123 : vector<16xf32>
        %parallel_loop3A_125 = arith.constant 0 : i32
        %parallel_loop3A_126 = arith.addi %parallel_loop3A_105, %parallel_loop3A_125 : i32
        %parallel_loop3A_127 = arith.index_cast %parallel_loop3A_126 : i32 to index
        %parallel_loop3A_128 = tpu.vector_load %arg10[%parallel_loop3A_127] {strides = array<i32>} : memref<16384xf32, #tpu.memory_space<vmem>>, vector<16xf32>,
        tpu.vector_store %arg10[%parallel_loop3A_127], %parallel_loop3A_124 {strides = array<i32>} : memref<16384xf32, #tpu.memory_space<vmem>>, vector<16xf32>,
        %parallel_loop3A_129 = arith.constant 128 : i32
        %parallel_loop3A_130 = arith.addi %parallel_loop3A_105, %parallel_loop3A_129 : i32
        %parallel_loop3A_131 = arith.index_cast %parallel_loop3A_130 : i32 to index
        %parallel_loop3A_132 = tpu.vector_load %arg8[%parallel_loop3A_131] {strides = array<i32>} : memref<16384xf32, #tpu.memory_space<vmem>>, vector<16xf32>,
        %parallel_loop3A_133 = vector.broadcast %scan3A_14 : f32 to vector<16xf32>
        %parallel_loop3A_134 = arith.mulf %parallel_loop3A_132, %parallel_loop3A_133 : vector<16xf32>
        %parallel_loop3A_135 = arith.fptosi %parallel_loop3A_134 : vector<16xf32> to vector<16xi32>
        %parallel_loop3A_136 = arith.sitofp %parallel_loop3A_135 : vector<16xi32> to vector<16xf32>
        %parallel_loop3A_137 = arith.subf %parallel_loop3A_134, %parallel_loop3A_136 : vector<16xf32>
        %parallel_loop3A_138 = arith.constant 1001 : i32
        %parallel_loop3A_139 = vector.broadcast %parallel_loop3A_138 : i32 to vector<16xi32>
        %parallel_loop3A_140 = arith.addi %parallel_loop3A_135, %parallel_loop3A_139 : vector<16xi32>
        %parallel_loop3A_141 = tpu.vector_load_idx %arg13[%parallel_loop3A_140] : memref<8008xf32, #tpu.memory_space<vmem>>[vector<16xi32>], vector<16xf32>,
        %parallel_loop3A_142 = tpu.vector_load_idx %arg14[%parallel_loop3A_140] : memref<8008xf32, #tpu.memory_space<vmem>>[vector<16xi32>], vector<16xf32>,
        %parallel_loop3A_143 = arith.mulf %parallel_loop3A_122, %parallel_loop3A_142 : vector<16xf32>
        %parallel_loop3A_144 = arith.mulf %parallel_loop3A_142, %parallel_loop3A_137 : vector<16xf32>
        %parallel_loop3A_145 = arith.addf %parallel_loop3A_141, %parallel_loop3A_144 : vector<16xf32>
        %parallel_loop3A_146 = arith.constant 128 : i32
        %parallel_loop3A_147 = arith.addi %parallel_loop3A_105, %parallel_loop3A_146 : i32
        %parallel_loop3A_148 = arith.index_cast %parallel_loop3A_147 : i32 to index
        %parallel_loop3A_149 = tpu.vector_load %arg10[%parallel_loop3A_148] {strides = array<i32>} : memref<16384xf32, #tpu.memory_space<vmem>>, vector<16xf32>,
        tpu.vector_store %arg10[%parallel_loop3A_148], %parallel_loop3A_145 {strides = array<i32>} : memref<16384xf32, #tpu.memory_space<vmem>>, vector<16xf32>,
        %parallel_loop3A_150 = arith.constant 256 : i32
        %parallel_loop3A_151 = arith.addi %parallel_loop3A_105, %parallel_loop3A_150 : i32
        %parallel_loop3A_152 = arith.index_cast %parallel_loop3A_151 : i32 to index
        %parallel_loop3A_153 = tpu.vector_load %arg8[%parallel_loop3A_152] {strides = array<i32>} : memref<16384xf32, #tpu.memory_space<vmem>>, vector<16xf32>,
        %parallel_loop3A_154 = vector.broadcast %scan3A_14 : f32 to vector<16xf32>
        %parallel_loop3A_155 = arith.mulf %parallel_loop3A_153, %parallel_loop3A_154 : vector<16xf32>
        %parallel_loop3A_156 = arith.fptosi %parallel_loop3A_155 : vector<16xf32> to vector<16xi32>
        %parallel_loop3A_157 = arith.sitofp %parallel_loop3A_156 : vector<16xi32> to vector<16xf32>
        %parallel_loop3A_158 = arith.subf %parallel_loop3A_155, %parallel_loop3A_157 : vector<16xf32>
        %parallel_loop3A_159 = arith.constant 2002 : i32
        %parallel_loop3A_160 = vector.broadcast %parallel_loop3A_159 : i32 to vector<16xi32>
        %parallel_loop3A_161 = arith.addi %parallel_loop3A_156, %parallel_loop3A_160 : vector<16xi32>
        %parallel_loop3A_162 = tpu.vector_load_idx %arg13[%parallel_loop3A_161] : memref<8008xf32, #tpu.memory_space<vmem>>[vector<16xi32>], vector<16xf32>,
        %parallel_loop3A_163 = tpu.vector_load_idx %arg14[%parallel_loop3A_161] : memref<8008xf32, #tpu.memory_space<vmem>>[vector<16xi32>], vector<16xf32>,
        %parallel_loop3A_164 = arith.mulf %parallel_loop3A_143, %parallel_loop3A_163 : vector<16xf32>
        %parallel_loop3A_165 = arith.mulf %parallel_loop3A_163, %parallel_loop3A_158 : vector<16xf32>
        %parallel_loop3A_166 = arith.addf %parallel_loop3A_162, %parallel_loop3A_165 : vector<16xf32>
        %parallel_loop3A_167 = arith.constant 256 : i32
        %parallel_loop3A_168 = arith.addi %parallel_loop3A_105, %parallel_loop3A_167 : i32
        %parallel_loop3A_169 = arith.index_cast %parallel_loop3A_168 : i32 to index
        %parallel_loop3A_170 = tpu.vector_load %arg10[%parallel_loop3A_169] {strides = array<i32>} : memref<16384xf32, #tpu.memory_space<vmem>>, vector<16xf32>,
        tpu.vector_store %arg10[%parallel_loop3A_169], %parallel_loop3A_166 {strides = array<i32>} : memref<16384xf32, #tpu.memory_space<vmem>>, vector<16xf32>,
        %parallel_loop3A_171 = arith.constant 384 : i32
        %parallel_loop3A_172 = arith.addi %parallel_loop3A_105, %parallel_loop3A_171 : i32
        %parallel_loop3A_173 = arith.index_cast %parallel_loop3A_172 : i32 to index
        %parallel_loop3A_174 = tpu.vector_load %arg8[%parallel_loop3A_173] {strides = array<i32>} : memref<16384xf32, #tpu.memory_space<vmem>>, vector<16xf32>,
        %parallel_loop3A_175 = vector.broadcast %scan3A_14 : f32 to vector<16xf32>
        %parallel_loop3A_176 = arith.mulf %parallel_loop3A_174, %parallel_loop3A_175 : vector<16xf32>
        %parallel_loop3A_177 = arith.fptosi %parallel_loop3A_176 : vector<16xf32> to vector<16xi32>
        %parallel_loop3A_178 = arith.sitofp %parallel_loop3A_177 : vector<16xi32> to vector<16xf32>
        %parallel_loop3A_179 = arith.subf %parallel_loop3A_176, %parallel_loop3A_178 : vector<16xf32>
        %parallel_loop3A_180 = arith.constant 3003 : i32
        %parallel_loop3A_181 = vector.broadcast %parallel_loop3A_180 : i32 to vector<16xi32>
        %parallel_loop3A_182 = arith.addi %parallel_loop3A_177, %parallel_loop3A_181 : vector<16xi32>
        %parallel_loop3A_183 = tpu.vector_load_idx %arg13[%parallel_loop3A_182] : memref<8008xf32, #tpu.memory_space<vmem>>[vector<16xi32>], vector<16xf32>,
        %parallel_loop3A_184 = tpu.vector_load_idx %arg14[%parallel_loop3A_182] : memref<8008xf32, #tpu.memory_space<vmem>>[vector<16xi32>], vector<16xf32>,
        %parallel_loop3A_185 = arith.mulf %parallel_loop3A_164, %parallel_loop3A_184 : vector<16xf32>
        %parallel_loop3A_186 = arith.mulf %parallel_loop3A_184, %parallel_loop3A_179 : vector<16xf32>
        %parallel_loop3A_187 = arith.addf %parallel_loop3A_183, %parallel_loop3A_186 : vector<16xf32>
        %parallel_loop3A_188 = arith.constant 384 : i32
        %parallel_loop3A_189 = arith.addi %parallel_loop3A_105, %parallel_loop3A_188 : i32
        %parallel_loop3A_190 = arith.index_cast %parallel_loop3A_189 : i32 to index
        %parallel_loop3A_191 = tpu.vector_load %arg10[%parallel_loop3A_190] {strides = array<i32>} : memref<16384xf32, #tpu.memory_space<vmem>>, vector<16xf32>,
        tpu.vector_store %arg10[%parallel_loop3A_190], %parallel_loop3A_187 {strides = array<i32>} : memref<16384xf32, #tpu.memory_space<vmem>>, vector<16xf32>,
        %parallel_loop3A_192 = arith.constant 512 : i32
        %parallel_loop3A_193 = arith.addi %parallel_loop3A_105, %parallel_loop3A_192 : i32
        %parallel_loop3A_194 = arith.index_cast %parallel_loop3A_193 : i32 to index
        %parallel_loop3A_195 = tpu.vector_load %arg8[%parallel_loop3A_194] {strides = array<i32>} : memref<16384xf32, #tpu.memory_space<vmem>>, vector<16xf32>,
        %parallel_loop3A_196 = vector.broadcast %scan3A_14 : f32 to vector<16xf32>
        %parallel_loop3A_197 = arith.mulf %parallel_loop3A_195, %parallel_loop3A_196 : vector<16xf32>
        %parallel_loop3A_198 = arith.fptosi %parallel_loop3A_197 : vector<16xf32> to vector<16xi32>
        %parallel_loop3A_199 = arith.sitofp %parallel_loop3A_198 : vector<16xi32> to vector<16xf32>
        %parallel_loop3A_200 = arith.subf %parallel_loop3A_197, %parallel_loop3A_199 : vector<16xf32>
        %parallel_loop3A_201 = arith.constant 4004 : i32
        %parallel_loop3A_202 = vector.broadcast %parallel_loop3A_201 : i32 to vector<16xi32>
        %parallel_loop3A_203 = arith.addi %parallel_loop3A_198, %parallel_loop3A_202 : vector<16xi32>
        %parallel_loop3A_204 = tpu.vector_load_idx %arg13[%parallel_loop3A_203] : memref<8008xf32, #tpu.memory_space<vmem>>[vector<16xi32>], vector<16xf32>,
        %parallel_loop3A_205 = tpu.vector_load_idx %arg14[%parallel_loop3A_203] : memref<8008xf32, #tpu.memory_space<vmem>>[vector<16xi32>], vector<16xf32>,
        %parallel_loop3A_206 = arith.mulf %parallel_loop3A_185, %parallel_loop3A_205 : vector<16xf32>
        %parallel_loop3A_207 = arith.mulf %parallel_loop3A_205, %parallel_loop3A_200 : vector<16xf32>
        %parallel_loop3A_208 = arith.addf %parallel_loop3A_204, %parallel_loop3A_207 : vector<16xf32>
        %parallel_loop3A_209 = arith.constant 512 : i32
        %parallel_loop3A_210 = arith.addi %parallel_loop3A_105, %parallel_loop3A_209 : i32
        %parallel_loop3A_211 = arith.index_cast %parallel_loop3A_210 : i32 to index
        %parallel_loop3A_212 = tpu.vector_load %arg10[%parallel_loop3A_211] {strides = array<i32>} : memref<16384xf32, #tpu.memory_space<vmem>>, vector<16xf32>,
        tpu.vector_store %arg10[%parallel_loop3A_211], %parallel_loop3A_208 {strides = array<i32>} : memref<16384xf32, #tpu.memory_space<vmem>>, vector<16xf32>,
        %parallel_loop3A_213 = arith.constant 640 : i32
        %parallel_loop3A_214 = arith.addi %parallel_loop3A_105, %parallel_loop3A_213 : i32
        %parallel_loop3A_215 = arith.index_cast %parallel_loop3A_214 : i32 to index
        %parallel_loop3A_216 = tpu.vector_load %arg8[%parallel_loop3A_215] {strides = array<i32>} : memref<16384xf32, #tpu.memory_space<vmem>>, vector<16xf32>,
        %parallel_loop3A_217 = vector.broadcast %scan3A_14 : f32 to vector<16xf32>
        %parallel_loop3A_218 = arith.mulf %parallel_loop3A_216, %parallel_loop3A_217 : vector<16xf32>
        %parallel_loop3A_219 = arith.fptosi %parallel_loop3A_218 : vector<16xf32> to vector<16xi32>
        %parallel_loop3A_220 = arith.sitofp %parallel_loop3A_219 : vector<16xi32> to vector<16xf32>
        %parallel_loop3A_221 = arith.subf %parallel_loop3A_218, %parallel_loop3A_220 : vector<16xf32>
        %parallel_loop3A_222 = arith.constant 5005 : i32
        %parallel_loop3A_223 = vector.broadcast %parallel_loop3A_222 : i32 to vector<16xi32>
        %parallel_loop3A_224 = arith.addi %parallel_loop3A_219, %parallel_loop3A_223 : vector<16xi32>
        %parallel_loop3A_225 = tpu.vector_load_idx %arg13[%parallel_loop3A_224] : memref<8008xf32, #tpu.memory_space<vmem>>[vector<16xi32>], vector<16xf32>,
        %parallel_loop3A_226 = tpu.vector_load_idx %arg14[%parallel_loop3A_224] : memref<8008xf32, #tpu.memory_space<vmem>>[vector<16xi32>], vector<16xf32>,
        %parallel_loop3A_227 = arith.mulf %parallel_loop3A_206, %parallel_loop3A_226 : vector<16xf32>
        %parallel_loop3A_228 = arith.mulf %parallel_loop3A_226, %parallel_loop3A_221 : vector<16xf32>
        %parallel_loop3A_229 = arith.addf %parallel_loop3A_225, %parallel_loop3A_228 : vector<16xf32>
        %parallel_loop3A_230 = arith.constant 640 : i32
        %parallel_loop3A_231 = arith.addi %parallel_loop3A_105, %parallel_loop3A_230 : i32
        %parallel_loop3A_232 = arith.index_cast %parallel_loop3A_231 : i32 to index
        %parallel_loop3A_233 = tpu.vector_load %arg10[%parallel_loop3A_232] {strides = array<i32>} : memref<16384xf32, #tpu.memory_space<vmem>>, vector<16xf32>,
        tpu.vector_store %arg10[%parallel_loop3A_232], %parallel_loop3A_229 {strides = array<i32>} : memref<16384xf32, #tpu.memory_space<vmem>>, vector<16xf32>,
        %parallel_loop3A_234 = arith.constant 768 : i32
        %parallel_loop3A_235 = arith.addi %parallel_loop3A_105, %parallel_loop3A_234 : i32
        %parallel_loop3A_236 = arith.index_cast %parallel_loop3A_235 : i32 to index
        %parallel_loop3A_237 = tpu.vector_load %arg8[%parallel_loop3A_236] {strides = array<i32>} : memref<16384xf32, #tpu.memory_space<vmem>>, vector<16xf32>,
        %parallel_loop3A_238 = vector.broadcast %scan3A_14 : f32 to vector<16xf32>
        %parallel_loop3A_239 = arith.mulf %parallel_loop3A_237, %parallel_loop3A_238 : vector<16xf32>
        %parallel_loop3A_240 = arith.fptosi %parallel_loop3A_239 : vector<16xf32> to vector<16xi32>
        %parallel_loop3A_241 = arith.sitofp %parallel_loop3A_240 : vector<16xi32> to vector<16xf32>
        %parallel_loop3A_242 = arith.subf %parallel_loop3A_239, %parallel_loop3A_241 : vector<16xf32>
        %parallel_loop3A_243 = arith.constant 6006 : i32
        %parallel_loop3A_244 = vector.broadcast %parallel_loop3A_243 : i32 to vector<16xi32>
        %parallel_loop3A_245 = arith.addi %parallel_loop3A_240, %parallel_loop3A_244 : vector<16xi32>
        %parallel_loop3A_246 = tpu.vector_load_idx %arg13[%parallel_loop3A_245] : memref<8008xf32, #tpu.memory_space<vmem>>[vector<16xi32>], vector<16xf32>,
        %parallel_loop3A_247 = tpu.vector_load_idx %arg14[%parallel_loop3A_245] : memref<8008xf32, #tpu.memory_space<vmem>>[vector<16xi32>], vector<16xf32>,
        %parallel_loop3A_248 = arith.mulf %parallel_loop3A_227, %parallel_loop3A_247 : vector<16xf32>
        %parallel_loop3A_249 = arith.mulf %parallel_loop3A_247, %parallel_loop3A_242 : vector<16xf32>
        %parallel_loop3A_250 = arith.addf %parallel_loop3A_246, %parallel_loop3A_249 : vector<16xf32>
        %parallel_loop3A_251 = arith.constant 768 : i32
        %parallel_loop3A_252 = arith.addi %parallel_loop3A_105, %parallel_loop3A_251 : i32
        %parallel_loop3A_253 = arith.index_cast %parallel_loop3A_252 : i32 to index
        %parallel_loop3A_254 = tpu.vector_load %arg10[%parallel_loop3A_253] {strides = array<i32>} : memref<16384xf32, #tpu.memory_space<vmem>>, vector<16xf32>,
        tpu.vector_store %arg10[%parallel_loop3A_253], %parallel_loop3A_250 {strides = array<i32>} : memref<16384xf32, #tpu.memory_space<vmem>>, vector<16xf32>,
        %parallel_loop3A_255 = arith.constant 896 : i32
        %parallel_loop3A_256 = arith.addi %parallel_loop3A_105, %parallel_loop3A_255 : i32
        %parallel_loop3A_257 = arith.index_cast %parallel_loop3A_256 : i32 to index
        %parallel_loop3A_258 = tpu.vector_load %arg8[%parallel_loop3A_257] {strides = array<i32>} : memref<16384xf32, #tpu.memory_space<vmem>>, vector<16xf32>,
        %parallel_loop3A_259 = vector.broadcast %scan3A_14 : f32 to vector<16xf32>
        %parallel_loop3A_260 = arith.mulf %parallel_loop3A_258, %parallel_loop3A_259 : vector<16xf32>
        %parallel_loop3A_261 = arith.fptosi %parallel_loop3A_260 : vector<16xf32> to vector<16xi32>
        %parallel_loop3A_262 = arith.sitofp %parallel_loop3A_261 : vector<16xi32> to vector<16xf32>
        %parallel_loop3A_263 = arith.subf %parallel_loop3A_260, %parallel_loop3A_262 : vector<16xf32>
        %parallel_loop3A_264 = arith.constant 7007 : i32
        %parallel_loop3A_265 = vector.broadcast %parallel_loop3A_264 : i32 to vector<16xi32>
        %parallel_loop3A_266 = arith.addi %parallel_loop3A_261, %parallel_loop3A_265 : vector<16xi32>
        %parallel_loop3A_267 = tpu.vector_load_idx %arg13[%parallel_loop3A_266] : memref<8008xf32, #tpu.memory_space<vmem>>[vector<16xi32>], vector<16xf32>,
        %parallel_loop3A_268 = tpu.vector_load_idx %arg14[%parallel_loop3A_266] : memref<8008xf32, #tpu.memory_space<vmem>>[vector<16xi32>], vector<16xf32>,
        %parallel_loop3A_269 = arith.mulf %parallel_loop3A_248, %parallel_loop3A_268 : vector<16xf32>
        %parallel_loop3A_270 = arith.mulf %parallel_loop3A_268, %parallel_loop3A_263 : vector<16xf32>
        %parallel_loop3A_271 = arith.addf %parallel_loop3A_267, %parallel_loop3A_270 : vector<16xf32>
        %parallel_loop3A_272 = arith.constant 896 : i32
        %parallel_loop3A_273 = arith.addi %parallel_loop3A_105, %parallel_loop3A_272 : i32
        %parallel_loop3A_274 = arith.index_cast %parallel_loop3A_273 : i32 to index
        %parallel_loop3A_275 = tpu.vector_load %arg10[%parallel_loop3A_274] {strides = array<i32>} : memref<16384xf32, #tpu.memory_space<vmem>>, vector<16xf32>,
        tpu.vector_store %arg10[%parallel_loop3A_274], %parallel_loop3A_271 {strides = array<i32>} : memref<16384xf32, #tpu.memory_space<vmem>>, vector<16xf32>,
        %parallel_loop3A_276 = vector.broadcast %scan3A_15 : f32 to vector<16xf32>
        %parallel_loop3A_277 = arith.mulf %parallel_loop3A_269, %parallel_loop3A_276 : vector<16xf32>
        %parallel_loop3A_278 = arith.constant 128 : i32
        %parallel_loop3A_279 = arith.muli %parallel_loop3A_98, %parallel_loop3A_278 : i32
        %parallel_loop3A_280 = arith.constant 16 : i32
        %parallel_loop3A_281 = arith.muli %parallel_loop3A_100, %parallel_loop3A_280 : i32
        %parallel_loop3A_282 = arith.addi %parallel_loop3A_279, %parallel_loop3A_281 : i32
        %parallel_loop3A_283 = arith.index_cast %parallel_loop3A_282 : i32 to index
        %parallel_loop3A_284 = tpu.vector_load %arg12[%parallel_loop3A_283] {strides = array<i32>} : memref<2048xf32, #tpu.memory_space<vmem>>, vector<16xf32>,
        tpu.vector_store %arg12[%parallel_loop3A_283], %parallel_loop3A_277 {strides = array<i32>} : memref<2048xf32, #tpu.memory_space<vmem>>, vector<16xf32>,
      } {sc.loop_unroll_factor = 4 : i64, sc.parallel_access}
      %mul3A_80 = arith.constant 2048 : i32
      %mul3A_81 = arith.muli %add3A_67, %mul3A_80 : i32
      %add3A_82 = arith.addi %mul3A_2, %mul3A_81 : i32
      %mul3A_83 = arith.constant 8 : i32
      %mul3A_84 = arith.muli %add3A_82, %mul3A_83 : i32
      %dma_start3A_85 = tpu.memref_slice %arg5[%mul3A_84] : memref<8388608xf32, #tpu.memory_space<hbm>> -> memref<16384xf32, #tpu.memory_space<hbm>>
      %dma_start3A_86 = tpu.memref_slice %arg5[%mul3A_84] : memref<8388608xf32, #tpu.memory_space<hbm>> -> memref<16384xf32, #tpu.memory_space<hbm>>
      tpu.enqueue_dma source(%arg10 : memref<16384xf32, #tpu.memory_space<vmem>>) target(%dma_start3A_86 : memref<16384xf32, #tpu.memory_space<hbm>>) target_semaphore(%arg18 : memref<!tpu.dma_semaphore, #tpu.memory_space<semaphore_mem>>)
      %dma_start3A_87 = tpu.memref_slice %arg6[%add3A_82] : memref<1048576xf32, #tpu.memory_space<hbm>> -> memref<2048xf32, #tpu.memory_space<hbm>>
      %dma_start3A_88 = tpu.memref_slice %arg6[%add3A_82] : memref<1048576xf32, #tpu.memory_space<hbm>> -> memref<2048xf32, #tpu.memory_space<hbm>>
      tpu.enqueue_dma source(%arg12 : memref<2048xf32, #tpu.memory_space<vmem>>) target(%dma_start3A_88 : memref<2048xf32, #tpu.memory_space<hbm>>) target_semaphore(%arg20 : memref<!tpu.dma_semaphore, #tpu.memory_space<semaphore_mem>>)
      %add3A_89 = arith.constant 2 : i32
      %add3A_90 = arith.addi %add3A_67, %add3A_89 : i32
      %lt3A_91 = arith.constant 16 : i32
      %lt3A_92 = arith.cmpi slt, %add3A_90, %lt3A_91 : i32
      %convert_element_type3A_93 = arith.extui %lt3A_92 : i1 to i32
      %cond3A_94 = arith.constant 0 : i32
      %cond3A_95 = arith.cmpi ne, %convert_element_type3A_93, %cond3A_94 : i32
      scf.if %cond3A_95 {
        %add3A_96 = arith.constant 2 : i32
        %add3A_97 = arith.addi %add3A_67, %add3A_96 : i32
        %mul3A_98 = arith.constant 2048 : i32
        %mul3A_99 = arith.muli %add3A_97, %mul3A_98 : i32
        %add3A_100 = arith.addi %mul3A_2, %mul3A_99 : i32
        %mul3A_101 = arith.constant 8 : i32
        %mul3A_102 = arith.muli %add3A_100, %mul3A_101 : i32
        %dma_start3A_103 = tpu.memref_slice %arg2[%mul3A_102] : memref<8388608xf32, #tpu.memory_space<hbm>> -> memref<16384xf32, #tpu.memory_space<hbm>>
        %dma_start3A_104 = tpu.memref_slice %arg2[%mul3A_102] : memref<8388608xf32, #tpu.memory_space<hbm>> -> memref<16384xf32, #tpu.memory_space<hbm>>
        tpu.enqueue_dma source(%dma_start3A_104 : memref<16384xf32, #tpu.memory_space<hbm>>) target(%arg8 : memref<16384xf32, #tpu.memory_space<vmem>>) target_semaphore(%arg16 : memref<!tpu.dma_semaphore, #tpu.memory_space<semaphore_mem>>)
      } else {
      }
    }
    %scan3A_20 = arith.constant 8 : i32
    %dma_wait3A = arith.constant 0 : i32
    %dma_wait3A_21 = tpu.memref_slice %arg5[%dma_wait3A] : memref<8388608xf32, #tpu.memory_space<hbm>> -> memref<16384xf32, #tpu.memory_space<hbm>>
    %dma_wait3A_22 = arith.constant 0 : i32
    %dma_wait3A_23 = tpu.memref_slice %arg5[%dma_wait3A_22] : memref<8388608xf32, #tpu.memory_space<hbm>> -> memref<16384xf32, #tpu.memory_space<hbm>>
    tpu.wait_dma2 semaphore(%arg17 : memref<!tpu.dma_semaphore, #tpu.memory_space<semaphore_mem>>) src(%arg9 : memref<16384xf32, #tpu.memory_space<vmem>>) dst(%dma_wait3A_23 : memref<16384xf32, #tpu.memory_space<hbm>>)
    %dma_wait3A_24 = arith.constant 0 : i32
    %dma_wait3A_25 = tpu.memref_slice %arg6[%dma_wait3A_24] : memref<1048576xf32, #tpu.memory_space<hbm>> -> memref<2048xf32, #tpu.memory_space<hbm>>
    %dma_wait3A_26 = arith.constant 0 : i32
    %dma_wait3A_27 = tpu.memref_slice %arg6[%dma_wait3A_26] : memref<1048576xf32, #tpu.memory_space<hbm>> -> memref<2048xf32, #tpu.memory_space<hbm>>
    tpu.wait_dma2 semaphore(%arg19 : memref<!tpu.dma_semaphore, #tpu.memory_space<semaphore_mem>>) src(%arg11 : memref<2048xf32, #tpu.memory_space<vmem>>) dst(%dma_wait3A_27 : memref<2048xf32, #tpu.memory_space<hbm>>)
    %dma_wait3A_28 = arith.constant 0 : i32
    %dma_wait3A_29 = tpu.memref_slice %arg5[%dma_wait3A_28] : memref<8388608xf32, #tpu.memory_space<hbm>> -> memref<16384xf32, #tpu.memory_space<hbm>>
    %dma_wait3A_30 = arith.constant 0 : i32
    %dma_wait3A_31 = tpu.memref_slice %arg5[%dma_wait3A_30] : memref<8388608xf32, #tpu.memory_space<hbm>> -> memref<16384xf32, #tpu.memory_space<hbm>>
    tpu.wait_dma2 semaphore(%arg18 : memref<!tpu.dma_semaphore, #tpu.memory_space<semaphore_mem>>) src(%arg10 : memref<16384xf32, #tpu.memory_space<vmem>>) dst(%dma_wait3A_31 : memref<16384xf32, #tpu.memory_space<hbm>>)
    %dma_wait3A_32 = arith.constant 0 : i32
    %dma_wait3A_33 = tpu.memref_slice %arg6[%dma_wait3A_32] : memref<1048576xf32, #tpu.memory_space<hbm>> -> memref<2048xf32, #tpu.memory_space<hbm>>
    %dma_wait3A_34 = arith.constant 0 : i32
    %dma_wait3A_35 = tpu.memref_slice %arg6[%dma_wait3A_34] : memref<1048576xf32, #tpu.memory_space<hbm>> -> memref<2048xf32, #tpu.memory_space<hbm>>
    tpu.wait_dma2 semaphore(%arg20 : memref<!tpu.dma_semaphore, #tpu.memory_space<semaphore_mem>>) src(%arg12 : memref<2048xf32, #tpu.memory_space<vmem>>) dst(%dma_wait3A_35 : memref<2048xf32, #tpu.memory_space<hbm>>)
    return
  }
}

</mosaic_0001>

<sc_bundles>
// kernel: kernel.3.cloned.1.call-start
scs
__scs_entry_jumppad:
0x0: {  	(pc) =	sbr.rel $0x88, $3  }
0x1: {  	(tag) =	ssettag $0x0;
	lr =	simm.s32 $0x1  }
0x2: {  	[smem:$0x3F9E] =	sst lr;
	_ =	strace $0xD0000000  }
0x3: {  	_ = 	snop  }
0x4: {  	_ = 	snop  }
0x5: {  	_ = 	snop  }
0x6: {  	_ = 	snop  }
0x7: {  	_ = 	snop  }
__scs_overlays_trampoline_lowered:
0x8: {  	[smem:$0x3FAD] =	sst s0  }
0x9: {  	[smem:$0x3FAE] =	sst s1  }
0xa: {  	[smem:$0x3FAF] =	sst s2  }
0xb: {  	[smem:$0x3FB0] =	sst s3  }
0xc: {  	[smem:$0x3FB1] =	sst s4  }
0xd: {  	[smem:$0x3FB2] =	sst s5  }
0xe: {  	[smem:$0x3FB3] =	sst s6  }
0xf: {  	[smem:$0x3FB4] =	sst s7  }
0x10: {  	[smem:$0x3FB5] =	sst s8  }
0x11: {  	[smem:$0x3FB6] =	sst s9;
	s0 =	simm.s32 @!p0 $0x0  }
0x12: {  	s1 =	sld [smem:$0x3F9C];
	s0 =	simm.s32 @p0 $0x1  }
0x13: {  	[smem:$0x3FB7] =	sst s0;
	s0 =	simm.s32 @!p1 $0x0  }
0x14: {  	s2 =	sld [smem:$0x3F9B];
	s0 =	simm.s32 @p1 $0x1  }
0x15: {  	[smem:$0x3FB8] =	sst s0;
	s0 =	simm.s32 @!p2 $0x0  }
0x16: {  	s3 =	sld [smem:$0x3FDB];
	s0 =	simm.s32 @p2 $0x1  }
0x17: {  	s4 =	simm.s32 $0x1BF5;
	[smem:$0x3FBA] =	sst s0  }
0x18: {  	s0 =	sld [smem:$0x3F9D];
	_ =	swait.ge [sflag:s4], $0x0  }
0x19: {  	s7 =	sld [smem:$0x3F9E]  }
0x1a: {  	s8 =	sadd.s32 $0xFFFFE003, lr  }
0x1b: {  	s9 =	sadd.s32 $0xFFFFFEF7, lr;
	s5 =	simm.s32 $0xFFFFFFFF;
	p2 =	slt.u32 s8, $0xFFFFF086  }
0x1c: {  	p1 =	slt.u32 s9, $0xF7A;
	s5 =	simm.s32 @!p2 $0x0  }
0x1d: {  	s5 =	simm.s32 @p1 $0x1;
	p0 =	seq.s32 s7, s2  }
0x1e: {  	s7 =	smul.u32 @!p0 $0xF7A, s2;
	p2 =	seq.s32 @!p0 s5, $0x0  }
0x1f: {  	s9 =	smul.u32 $0xF7A, s1;
	s8 =	simm.s32 @!p0 $0x1BF5;
	p2 =	por !p2, p0  }
0x20: {  	[sflag:s8] =	ssyncset.s32 @!p0 $0xFFFFF086;
	s6 =	sadd.s32 @!p0 s3, s7;
	s7 =	simm.s32 @!p0 $0x108  }
0x21: {  	s3 =	sadd.s32 s3, s9;
	s6 =	sadd.s32 @!p0 $0x88, s6;
	s7 =	simm.s32 @p2 $0x1082  }
0x22: {  	[simem:s7], [sflag:s8] =	dma.local @!p0 [hbm:s6], $0xF7A  }
0x23: {  	s9 =	sor.u32 $0xD0000000, s2;
	s6 =	simm.s32 $0x108;
	_ =	swait.ge @!p0 [sflag:s8], $0x0  }
0x24: {  	s3 =	sadd.s32 $0x88, s3;
	s6 =	simm.s32 @!p1 $0x1082;
	[sflag:s4] =	ssyncset.s32 $0xFFFFF086  }
0x25: {  	[simem:s6], [sflag:s4] =	dma.local [hbm:s3], $0xF7A  }
0x26: {  	[smem:$0x3F9E] =	sst s1;
	(tag) =	ssettag s2;
	_ =	strace s9  }
0x27: {  	s1 =	sld [smem:$0x3FAE]  }
0x28: {  	s2 =	sld [smem:$0x3FAF]  }
0x29: {  	s4 =	sld [smem:$0x3FB1]  }
0x2a: {  	p0 =	seq.s32 s5, $0x0;
	s5 =	sld [smem:$0x3FB2]  }
0x2b: {  	s6 =	sld [smem:$0x3FB3]  }
0x2c: {  	s7 =	sld [smem:$0x3FB4]  }
0x2d: {  	s3 =	simm.s32 $0x108;
	s8 =	sld [smem:$0x3FB5]  }
0x2e: {  	s3 =	simm.s32 @!p0 $0x1082;
	s9 =	sld [smem:$0x3FB6]  }
0x2f: {  	lr =	sadd.s32 s0, s3;
	s0 =	sld [smem:$0x3FAD]  }
0x30: {  	s3 =	sld [smem:$0x3FB0]  }
0x31: {  	[smem:$0x3FB9] =	sst s10  }
0x32: {  	s10 =	sld [smem:$0x3FB7];
	_ =	sdelay $0x3  }
0x33: {  	p0 =	seq.s32 s10, $0x1;
	s10 =	sld [smem:$0x3FB9];
	_ =	sdelay $0x3  }
0x34: {  	[smem:$0x3FB9] =	sst s10  }
0x35: {  	s10 =	sld [smem:$0x3FB8];
	_ =	sdelay $0x3  }
0x36: {  	p1 =	seq.s32 s10, $0x1;
	s10 =	sld [smem:$0x3FB9];
	_ =	sdelay $0x3  }
0x37: {  	[smem:$0x3FB9] =	sst s10  }
0x38: {  	s10 =	sld [smem:$0x3FBA]  }
0x39: {  	_ = 	snop;
	(pc) =	sbr.ind lr, $3  }
0x3a: {  	_ = 	snop  }
0x3b: {  	_ = 	snop  }
0x3c: {  	p2 =	seq.s32 s10, $0x1;
	s10 =	sld [smem:$0x3FB9]  }
0x3d: {  	_ =	shalt  }
0x3e: {  	_ =	shalt  }
0x3f: {  	_ =	shalt  }
0x40: {  	_ =	shalt  }
0x41: {  	_ =	shalt  }
0x42: {  	_ =	shalt  }
0x43: {  	_ =	shalt  }
0x44: {  	_ =	shalt  }
0x45: {  	_ =	shalt  }
0x46: {  	_ =	shalt  }
0x47: {  	_ =	shalt  }
0x48: {  	_ =	shalt  }
0x49: {  	_ =	shalt  }
0x4a: {  	_ =	shalt  }
0x4b: {  	_ =	shalt  }
0x4c: {  	_ =	shalt  }
0x4d: {  	_ =	shalt  }
0x4e: {  	_ =	shalt  }
0x4f: {  	_ =	shalt  }
0x50: {  	_ =	shalt  }
0x51: {  	_ =	shalt  }
0x52: {  	_ =	shalt  }
0x53: {  	_ =	shalt  }
0x54: {  	_ =	shalt  }
0x55: {  	_ =	shalt  }
0x56: {  	_ =	shalt  }
0x57: {  	_ =	shalt  }
0x58: {  	_ =	shalt  }
0x59: {  	_ =	shalt  }
0x5a: {  	_ =	shalt  }
0x5b: {  	_ =	shalt  }
0x5c: {  	_ =	shalt  }
0x5d: {  	_ =	shalt  }
0x5e: {  	_ =	shalt  }
0x5f: {  	_ =	shalt  }
0x60: {  	_ =	shalt  }
0x61: {  	_ =	shalt  }
0x62: {  	_ =	shalt  }
0x63: {  	_ =	shalt  }
0x64: {  	_ =	shalt  }
0x65: {  	_ =	shalt  }
0x66: {  	_ =	shalt  }
0x67: {  	_ =	shalt  }
0x68: {  	_ =	shalt  }
0x69: {  	_ =	shalt  }
0x6a: {  	_ =	shalt  }
0x6b: {  	_ =	shalt  }
0x6c: {  	_ =	shalt  }
0x6d: {  	_ =	shalt  }
0x6e: {  	_ =	shalt  }
0x6f: {  	_ =	shalt  }
0x70: {  	_ =	shalt  }
0x71: {  	_ =	shalt  }
0x72: {  	_ =	shalt  }
0x73: {  	_ =	shalt  }
0x74: {  	_ =	shalt  }
0x75: {  	_ =	shalt  }
0x76: {  	_ =	shalt  }
0x77: {  	_ =	shalt  }
0x78: {  	_ =	shalt  }
0x79: {  	_ =	shalt  }
0x7a: {  	_ =	shalt  }
0x7b: {  	_ =	shalt  }
0x7c: {  	_ =	shalt  }
0x7d: {  	_ =	shalt  }
0x7e: {  	_ =	shalt  }
0x7f: {  	_ =	shalt  }
0x80: {  	_ =	shalt  }
0x81: {  	_ =	shalt  }
0x82: {  	_ =	shalt  }
0x83: {  	_ =	shalt  }
0x84: {  	_ =	shalt  }
0x85: {  	_ =	shalt  }
0x86: {  	_ =	shalt  }
0x87: {  	_ =	shalt  }
.Lfunc_end0:
.L_simem_size_0:
called_computation_lowered:
.L_overlay_start_0:
0x88: {  	s2 =	sld [smem:$0x3FD9]  }
0x89: {  	s3 =	sld [smem:$0x3FFE];
	_ =	sdelay $0x1  }
0x8a: {  	s1 =	srdreg.scid  }
0x8b: {  	s0 =	sand.u32 $0x1, s1  }
0x8c: {  	s14 =	sshll.u32 s0, $0xA;
	s2 =	sadd.s32 s3, s2  }
0x8d: {  	s2 =	sadd.s32 s2, s14  }
0x8e: {  	[smem:$0x3FC5] =	sst s2  }
0x8f: {  	_ = 	snop  }
0x90: {  	s2 =	sld [smem:$0x3FD0];
	_ =	sdelay $0x2  }
0x91: {  	s4 =	simm.s32 $0xA;
	s5 =	simm.s32 $0x10;
	s15 =	sld [smem:$0x3FC9]  }
0x92: {  	[smem:s5], [sflag:s4] =	dma.local [hbm:s2], $0x1  }
0x93: {  	_ =	swait.eq [sflag:s4], $0x1  }
0x94: {  	[sflag:s4] =	ssyncset.done $0x0  }
0x95: {  	s16 =	sld [smem:$0x10];
	[sflag:s4] =	ssyncadd.s32 $0xFFFFFFFF  }
0x96: {  	s17 =	sld [smem:$0x11];
	(tm) =	ssettm $0x1  }
0x97: {  	s18 =	sld [smem:$0x3FFB];
	_ =	sdelay $0x3  }
0x98: {  	_ =	strace s18  }
0x99: {  	s5 =	sld [smem:$0x3FFC];
	_ =	sdelay $0x3  }
0x9a: {  	_ =	strace s5  }
0x9b: {  	s5 =	sld [smem:$0x3FFD];
	_ =	sdelay $0x3  }
0x9c: {  	_ =	strace s5  }
0x9d: {  	_ =	strace $0x8FFFFFFF  }
0x9e: {  	s19 =	sld [smem:$0x3FDB];
	_ =	sdelay $0x1  }
0x9f: {  	s6 =	simm.s32 $_scs_section_size  }
0xa0: {  	s7 =	simm.s32 $_size__tile_overlayer_lowered;
	s8 =	simm.s32 $_tile_overlayer_lowered  }
0xa1: {  	s22 =	simm.s32 $0x1BFF;
	s21 =	sshll.u32 s8, $0x1;
	s5 =	sadd.s32 s6, s19  }
0xa2: {  	s9 =	simm.s32 $0x0;
	s20 =	sshll.u32 s7, $0x1;
	s7 =	sadd.s32 s21, s5  }
0xa3: {  	[timem:s9], [sflag:s22] =	dma.local [hbm:s7], s20  }
0xa4: {  	_ =	swait.ge [sflag:s22], s20  }
0xa5: {  	s6 =	ssub.s32 $0x0, s20;
	[sflag:s22] =	ssyncset.done $0x0  }
0xa6: {  	[sflag:s22] =	ssyncadd.s32 s6;
	_ =	sdelay $0x1  }
0xa7: {  	s23 =	simm.s32 $0x1B8B  }
0xa8: {  	_ =	swait.ge [sflag:s23], $0x1  }
0xa9: {  	[sflag:s23] =	ssyncset.done $0x0  }
0xaa: {  	s25 =	simm.s32 $0x1B8E;
	s24 =	sld [smem:$0x3FFE];
	[sflag:s23] =	ssyncadd.s32 $0xFFFFFFFF  }
0xab: {  	s26 =	simm.s32 $execute0_lowered;
	[smem:$0x3FD2] =	sst s25  }
0xac: {  	s7 =	sshll.u32 s26, $0x1;
	_ =	strace $0x80000046;
	[dreg:$0x1] =	wrdreg $0xFFFFFFFF  }
0xad: {  	s28 =	simm.s32 $_size_execute0_lowered;
	s5 =	sadd.s32 s5, s7;
	[dreg:$0x0] =	wrdreg $0x0  }
0xae: {  	s7 =	sshll.u32 s28, $0x1;
	[dreg:$0x2] =	wrdreg s5  }
0xaf: {  	[dreg:$0x3] =	wrdreg s7  }
0xb0: {  	[dreg:$0x4] =	wrdreg $0xC0  }
0xb1: {  	_ =	task [dreg:s9], $0x5FFFF  }
0xb2: {  	[dreg:$0x1] =	wrdreg $0xFFFFFFFF  }
0xb3: {  	[dreg:$0x0] =	wrdreg $0x60  }
0xb4: {  	[dreg:$0x2] =	wrdreg s15  }
0xb5: {  	[dreg:$0x3] =	wrdreg s24  }
0xb6: {  	[dreg:$0x4] =	wrdreg s16  }
0xb7: {  	[dreg:$0x5] =	wrdreg s17  }
0xb8: {  	[dreg:$0x6] =	wrdreg $0x9  }
0xb9: {  	_ =	task.clear_ibuf [dreg:s9], $0x7FFFF;
	_ =	strace $0x90000046  }
0xba: {  	s29 =	simm.s32 $0x9;
	_ =	strace $0x80000048  }
0xbb: {  	_ =	swait.ge [sflag:s29], $0x1  }
0xbc: {  	[sflag:s29] =	ssyncadd.s32 $0xFFFFFFFF  }
0xbd: {  	_ =	strace $0x90000048  }
0xbe: {  	_ =	sfence  }
0xbf: {  	s30 =	sld [smem:$0x0];
	_ =	sdelay $0x2  }
0xc0: {  	s31 =	sshll.u32 s1, $0xD;
	s1 =	sshrl.u32 s1, $0x2  }
0xc1: {  	s3 =	sand.u32 $0x4000, s31;
	s1 =	sadd.s32 s1, s30  }
0xc2: {  	s0 =	sor.u32 s3, s0;
	s1 =	sshll.u32 s1, $0x11  }
0xc3: {  	s0 =	sor.u32 s1, s0  }
0xc4: {  	s0 =	sadd.s32 $0x8F2B, s0  }
0xc5: {  	[sflag:s0] =	ssyncadd.remote.s32 $0x1  }
0xc6: {  	_ =	sfence.sel $0xFFFF  }
0xc7: {  	[dreg:$0x0] =	wrdreg $0xFFFFFFFF;
	(pc) =	sbr.abs _section_cstart, $3  }
0xc8: {  	[dreg:$0x1] =	wrdreg $0xFFFFFFFF  }
0xc9: {  	_ =	task.clear_ibuf [dreg:s9], $0x2FFFF;
	_ =	strace $0x9FFFFFFF  }
0xca: {  	(tm) =	ssettm $0x7FFFFFFF  }
0xcb: {  	_ =	shalt  }
tec
execute0_lowered:
.L_overlay_start_1:
0x0: {  	(tag) =	ssettag $0x1  }
0x1: {  	s0 =	rddreg [dreg:$0x0]  }
0x2: {  	s2 =	rddreg [dreg:$0x1]  }
0x3: {  	s21 =	rddreg [dreg:$0x2];
	s5 =	srdreg.scid  }
0x4: {  	s4 =	simm.s32 $0x0;
	s1 =	stileid.u32;
	s13 =	simm.s32 $0x11000  }
0x5: {  	s15 =	simm.s32 $0x12F48;
	s5 =	sand.u32 $0x1, s5;
	[smem:$0x7FF] =	sst s4  }
0x6: {  	s6 =	sshll.u32 s1, $0x10;
	s3 =	sadd.s32 $0x800, s2;
	s28 =	sadd.s32 $0xC00, s2  }
0x7: {  	s7 =	sshll.u32 s5, $0xF;
	_ =	strace $0x80000047;
	[dreg:$0x6] =	wrdreg s3  }
0x8: {  	s17 =	simm.s32 $0x1;
	[dreg:$0x8] =	wrdreg s28;
	s1 =	sor.u32 s7, s6  }
0x9: {  	s8 =	ssub.s32 $0x2, s5;
	[dreg:$0x5] =	wrdreg s1;
	s1 =	sadd.s32 s0, s1  }
.Ltmp0:
0xa: {  	s30 =	sadd.s32 $0x800, s1;
	[dreg:$0x7] =	wrdreg s1;
	(pc) =	sbr.rel .LBB2_1-.Ltmp0, $4  }
0xb: {  	s26 =	sshrl.u32 s8, $0x1;
	s31 =	sadd.s32 $0x1000, s1;
	[dreg:$0x9] =	wrdreg s30  }
0xc: {  	s29 =	ssub.s32 s8, s26;
	s1 =	sadd.s32 $0x1800, s1;
	[dreg:$0xa] =	wrdreg s31  }
0xd: {  	s20 =	simm.s32 $0x2;
	s0 =	smax.u32 s29, $0x1;
	[dreg:$0xb] =	wrdreg s1  }
0xe: {  	s22 =	simm.s32 $0x6;
	[dreg:$0xc] =	wrdreg s0;
	s1 =	simm.s32 $0x0  }
.LBB2_12:
0xf: {  	s0 =	simm.s32 $0x3  }
0x10: {  	_ =	swait.ge [sflag:s0], $0x4000  }
0x11: {  	[sflag:s0] =	ssyncset.done $0x0  }
0x12: {  	s29 =	simm.s32 $0x5;
	[sflag:s0] =	ssyncadd.s32 $0xFFFFC000  }
0x13: {  	_ =	swait.ge [sflag:s29], $0x800  }
0x14: {  	[sflag:s29] =	ssyncset.done $0x0  }
0x15: {  	s30 =	simm.s32 $0x4;
	[sflag:s29] =	ssyncadd.s32 $0xFFFFF800  }
0x16: {  	_ =	swait.ge [sflag:s30], $0x4000  }
0x17: {  	[sflag:s30] =	ssyncset.done $0x0  }
0x18: {  	[sflag:s30] =	ssyncadd.s32 $0xFFFFC000  }
0x19: {  	_ =	swait.ge [sflag:s22], $0x800  }
0x1a: {  	s1 =	rddreg [dreg:$0xd]  }
0x1b: {  	s31 =	rddreg [dreg:$0xc];
	s1 =	sadd.s32 $0x1, s1  }
0x1c: {  	p0 =	sne.s32 s1, s31  }
.Ltmp1:
0x1d: {  	_ = 	snop;
	(pc) =	sbr.rel @!p0 .LBB2_13-.Ltmp1, $3  }
0x1e: {  	_ =	sdelay $0x1  }
0x1f: {  	[sflag:s22] =	ssyncset.done $0x0  }
0x20: {  	[sflag:s22] =	ssyncadd.s32 $0xFFFFF800  }
.LBB2_1:
0x21: {  	[dreg:$0xd] =	wrdreg s1  }
0x22: {  	s0 =	rddreg [dreg:$0x6];
	s25 =	simm.s32 $0x7  }
0x23: {  	[tilespmem:s13], [sflag:$0x7] =	stream.linear.gather [hbm4b:s0+s4], $0x1F48, $0x38;
	[tilespmem:$0x14E90] =	vst v63  }
0x24: {  	_ =	swait.ge [sflag:s25], $0x1F48  }
0x25: {  	[sflag:s25] =	ssyncset.done $0x0  }
0x26: {  	s26 =	rddreg [dreg:$0x8];
	[sflag:s25] =	ssyncadd.s32 $0xFFFFE0B8  }
0x27: {  	[tilespmem:s15], [sflag:$0x7] =	stream.linear.gather [hbm4b:s26+s4], $0x1F48, $0x38;
	[tilespmem:$0x14E90] =	vst v63  }
0x28: {  	_ =	swait.ge [sflag:s25], $0x1F48  }
0x29: {  	[sflag:s25] =	ssyncset.done $0x0  }
0x2a: {  	s28 =	rddreg [dreg:$0x7];
	[sflag:s25] =	ssyncadd.s32 $0xFFFFE0B8  }
0x2b: {  	[tilespmem:s4], [sflag:$0x1] =	stream.linear.gather [hbm4b:s28+s4], $0x4000, $0x38;
	[tilespmem:$0x14E90] =	vst v63  }
0x2c: {  	s31 =	simm.s32 $0x4000;
	s29 =	simm.s32 $0x0;
	s30 =	rddreg [dreg:$0x9]  }
0x2d: {  	[tilespmem:s31], [sflag:$0x2] =	stream.linear.gather [hbm4b:s30+s4], $0x4000, $0x38;
	[tilespmem:$0x14E90] =	vst v63  }
.LBB2_2:
0x2e: {  	_ =	swait.ge [sflag:s17], $0x4000  }
0x2f: {  	p0 =	seq.s32 s29, $0x0;
	[sflag:s17] =	ssyncset.done $0x0  }
0x30: {  	s0 =	simm.s32 @!p0 $0x3;
	[sflag:s17] =	ssyncadd.s32 $0xFFFFC000  }
0x31: {  	_ =	swait.ge @!p0 [sflag:s0], $0x4000  }
0x32: {  	[sflag:s0] =	ssyncset.done @!p0 $0x0  }
0x33: {  	s2 =	simm.s32 $0x0;
	[sflag:s0] =	ssyncadd.s32 @!p0 $0xFFFFC000;
	s0 =	simm.s32 @!p0 $0x5  }
0x34: {  	s6 =	simm.s32 $0x0;
	s16 =	sand.u32 $0x40, s2;
	_ =	swait.ge @!p0 [sflag:s0], $0x800  }
0x35: {  	s8 =	sand.u32 $0xFFFFFC00, s6;
	s19 =	sor.u32 $0x30, s16;
	[sflag:s0] =	ssyncset.done @!p0 $0x0  }
0x36: {  	s23 =	sor.u32 s8, s19;
	[sflag:s0] =	ssyncadd.s32 @!p0 $0xFFFFF800  }
0x37: {  	s28 =	sor.u32 $0x10, s16;
	s18 =	sor.u32 s16, s8;
	v0 =	vld [tilespmem:s23+$0x0]  }
0x38: {  	s10 =	sor.u32 $0x20, s16;
	s0 =	sor.u32 s8, s28;
	v1 =	vld [tilespmem:s18+$0x0]  }
0x39: {  	s31 =	sor.u32 s8, s10;
	v2 =	vld [tilespmem:s0+$0x0]  }
0x3a: {  	v3 =	vld [tilespmem:s31+$0x0]  }
0x3b: {  	v4 =	vld [tilespmem:s18+$0x80]  }
0x3c: {  	v5 =	vld [tilespmem:s0+$0x80]  }
0x3d: {  	v7 =	vld [tilespmem:s31+$0x80]  }
0x3e: {  	v8 =	vld [tilespmem:s18+$0x100]  }
0x3f: {  	v10 =	vld [tilespmem:s0+$0x100]  }
0x40: {  	v13 =	vld [tilespmem:s31+$0x100]  }
0x41: {  	v15 =	vld [tilespmem:s18+$0x180]  }
0x42: {  	v17 =	vld [tilespmem:s0+$0x180]  }
0x43: {  	v19 =	vld [tilespmem:s31+$0x180];
	v6 =	vmul.f32 $1.000000000e+03, v0;
	v9 =	vmul.f32 $1.000000000e+03, v1  }
0x44: {  	v31 =	vld [tilespmem:s0+$0x200];
	v11 =	vmul.f32 $1.000000000e+03, v2;
	v3 =	vmul.f32 $1.000000000e+03, v3  }
0x45: {  	v37 =	vld [tilespmem:s23+$0x200];
	v21 =	vmul.f32 $1.000000000e+03, v4;
	v5 =	vmul.f32 $1.000000000e+03, v5  }
0x46: {  	v27 =	vmul.f32 $1.000000000e+03, v7;
	v33 =	vmul.f32 $1.000000000e+03, v8  }
0x47: {  	v10 =	vmul.f32 $1.000000000e+03, v10;
	v13 =	vmul.f32 $1.000000000e+03, v13  }
0x48: {  	v15 =	vmul.f32 $1.000000000e+03, v15;
	v17 =	vmul.f32 $1.000000000e+03, v17  }
0x49: {  	s25 =	simm.s32 $0x40;
	v19 =	vmul.f32 $1.000000000e+03, v19;
	v31 =	vmul.f32 $1.000000000e+03, v31  }
0x4a: {  	s9 =	simm.s32 $0x200;
	s2 =	sand.u32 $0x40, s25;
	v61 =	vmul.f32 $1.000000000e+03, v37;
	v0 =	vtrunc.f32 v6  }
0x4b: {  	s8 =	sand.u32 $0xFFFFFC00, s9;
	s9 =	sor.u32 $0x10, s2;
	v12 =	vtrunc.f32 v11;
	v28 =	vtrunc.f32 v27  }
0x4c: {  	s6 =	sor.u32 s8, s9;
	v2 =	vld [tilespmem:s23+$0x80];
	v54 =	vtrunc.f32 v15;
	v56 =	vtrunc.f32 v19  }
0x4d: {  	v37 =	vld [tilespmem:s6+$0x180];
	v62 =	vtrunc.f32 v61;
	v1 =	vcvt.f32.s32 v0  }
0x4e: {  	v0 =	vtrunc.f32 v9;
	v16 =	vcvt.f32.s32 v12  }
0x4f: {  	v14 =	vcvt.f32.s32 v0;
	v0 =	vtrunc.f32 v3  }
0x50: {  	v44 =	vtrunc.f32 v31;
	v18 =	vcvt.f32.s32 v0  }
0x51: {  	v40 =	vld [tilespmem:s23+$0x280];
	v22 =	vcvt.s32.f32 v16;
	v23 =	vmul.f32 $1.000000000e+03, v2  }
0x52: {  	v12 =	vld [tilespmem:s18+$0x200];
	v2 =	vcvt.s32.f32 v1;
	v37 =	vmul.f32 $1.000000000e+03, v37  }
0x53: {  	v20 =	vcvt.s32.f32 v14;
	v26 =	vtrunc.f32 v23;
	v0 =	vld.idx.msk [tilespmem:v1+s15+$0x0], $0xffff  }
0x54: {  	v24 =	vcvt.s32.f32 v18;
	v11 =	vsub.f32 v11, v22;
	v7 =	vcvt.f32.s32 v26;
	v25 =	vld.idx.msk [tilespmem:v1+s13+$0x0], $0xffff  }
0x55: {  	v9 =	vsub.f32 v9, v20;
	v20 =	vtrunc.f32 v21;
	v26 =	vtrunc.f32 v5;
	v1 =	vld.idx.msk [tilespmem:v16+s15+$0x0], $0xffff  }
0x56: {  	v22 =	vcvt.f32.s32 v26;
	v24 =	vsub.f32 v3, v24;
	v3 =	vcvt.f32.s32 v28;
	v4 =	vld.idx.msk [tilespmem:v14+s15+$0x0], $0xffff  }
0x57: {  	v6 =	vsub.f32 v6, v2;
	v60 =	vmul.f32 $1.000000000e+03, v12;
	v20 =	vcvt.f32.s32 v20;
	v26 =	vld [tilespmem:s23+$0x100]  }
0x58: {  	v14 =	vld.idx.msk [tilespmem:v14+s13+$0x0], $0xffff;
	v50 =	vcvt.s32.f32 v22;
	v30 =	vcvt.s32.f32 v3  }
0x59: {  	v29 =	vadd.s32 $0x3E9, v7;
	v2 =	vld.idx.msk [tilespmem:v18+s15+$0x0], $0xffff;
	v22 =	vadd.s32 $0x3E9, v22;
	v6 =	vmul.f32 v6, v0  }
0x5a: {  	v16 =	vld.idx.msk [tilespmem:v16+s13+$0x0], $0xffff;
	v32 =	vadd.s32 $0x3E9, v3;
	v28 =	vsub.f32 v5, v50;
	v27 =	vsub.f32 v27, v30  }
0x5b: {  	v53 =	vld [tilespmem:s0+$0x280];
	v30 =	vcvt.f32.s32 v54;
	v9 =	vmul.f32 v9, v4;
	v6 =	vadd.f32 v6, v25  }
0x5c: {  	v18 =	vld.idx.msk [tilespmem:v18+s13+$0x0], $0xffff;
	v50 =	vmul.f32 $1.000000000e+03, v40;
	v25 =	vcvt.s32.f32 v20;
	v20 =	vadd.s32 $0x3E9, v20  }
0x5d: {  	v63 =	vld [tilespmem:s0+$0x300];
	v8 =	vadd.f32 v9, v14;
	[tilespmem:s23+$0x8000] =	vst v6;
	v6 =	vmul.f32 v11, v1;
	v11 =	vmul.f32 $1.000000000e+03, v26  }
0x5e: {  	v41 =	vld [tilespmem:s31+$0x300];
	v9 =	vsub.f32 v21, v25;
	v21 =	vmul.f32 v24, v2;
	v24 =	vcvt.s32.f32 v7  }
0x5f: {  	v58 =	vcvt.s32.f32 v30;
	v54 =	vtrunc.f32 v50;
	v3 =	vld.idx.msk [tilespmem:v29+s15+$0x0], $0xffff;
	v6 =	vadd.f32 v6, v16  }
0x60: {  	v25 =	vld.idx.msk [tilespmem:v29+s13+$0x0], $0xffff;
	[tilespmem:s18+$0x8000] =	vst v8;
	v8 =	vtrunc.f32 v11;
	v16 =	vtrunc.f32 v33;
	v23 =	vsub.f32 v23, v24  }
0x61: {  	v18 =	vadd.f32 v21, v18;
	v21 =	vtrunc.f32 v13;
	v7 =	vld.idx.msk [tilespmem:v20+s15+$0x0], $0xffff;
	v24 =	vcvt.f32.s32 v8  }
0x62: {  	v8 =	vtrunc.f32 v10;
	v20 =	vld.idx.msk [tilespmem:v20+s13+$0x0], $0xffff;
	v16 =	vcvt.f32.s32 v16;
	[tilespmem:s0+$0x8000] =	vst v6  }
0x63: {  	v30 =	vadd.s32 $0xBBB, v30;
	v5 =	vcvt.f32.s32 v8;
	[tilespmem:s31+$0x8000] =	vst v18;
	v18 =	vcvt.f32.s32 v21;
	v21 =	vld [tilespmem:s23+$0x180]  }
0x64: {  	v6 =	vld.idx.msk [tilespmem:v22+s15+$0x0], $0xffff;
	v51 =	vadd.s32 $0x7D2, v24;
	v52 =	vcvt.s32.f32 v16;
	v24 =	vcvt.s32.f32 v24  }
0x65: {  	v8 =	vld.idx.msk [tilespmem:v32+s15+$0x0], $0xffff;
	v16 =	vadd.s32 $0x7D2, v16;
	v23 =	vmul.f32 v23, v3;
	v34 =	vcvt.s32.f32 v18  }
0x66: {  	v14 =	vld [tilespmem:s31+$0x200];
	v35 =	vadd.s32 $0x7D2, v5;
	v18 =	vadd.s32 $0x7D2, v18;
	v0 =	vmul.f32 v3, v0  }
0x67: {  	v22 =	vld.idx.msk [tilespmem:v22+s13+$0x0], $0xffff;
	v11 =	vsub.f32 v11, v24;
	v24 =	vtrunc.f32 v17;
	v9 =	vmul.f32 v9, v7  }
0x68: {  	v32 =	vld.idx.msk [tilespmem:v32+s13+$0x0], $0xffff;
	v23 =	vadd.f32 v23, v25;
	v25 =	vcvt.s32.f32 v5;
	v13 =	vsub.f32 v13, v34  }
0x69: {  	v34 =	vld [tilespmem:s18+$0x300];
	v4 =	vmul.f32 v7, v4;
	v21 =	vmul.f32 $1.000000000e+03, v21;
	v9 =	vadd.f32 v9, v20  }
0x6a: {  	[tilespmem:s23+$0x8080] =	vst v23;
	v20 =	vmul.f32 v28, v6;
	v25 =	vsub.f32 v10, v25;
	v10 =	vmul.f32 v27, v8;
	v27 =	vld [tilespmem:s31+$0x280]  }
0x6b: {  	v23 =	vsub.f32 v33, v52;
	v33 =	vcvt.f32.s32 v44;
	v1 =	vmul.f32 v6, v1;
	v5 =	vld.idx.msk [tilespmem:v51+s15+$0x0], $0xffff  }
0x6c: {  	v2 =	vmul.f32 v8, v2;
	v29 =	vld.idx.msk [tilespmem:v51+s13+$0x0], $0xffff;
	v55 =	vtrunc.f32 v21;
	[tilespmem:s18+$0x8080] =	vst v9;
	v20 =	vadd.f32 v20, v22  }
0x6d: {  	v22 =	vcvt.f32.s32 v55;
	v47 =	vadd.s32 $0xFA4, v33;
	v33 =	vcvt.s32.f32 v33;
	v9 =	vld.idx.msk [tilespmem:v16+s15+$0x0], $0xffff  }
0x6e: {  	v26 =	vld [tilespmem:s18+$0x280];
	v10 =	vadd.f32 v10, v32;
	v34 =	vmul.f32 $1.000000000e+03, v34;
	[tilespmem:s0+$0x8080] =	vst v20;
	v20 =	vcvt.f32.s32 v24  }
0x6f: {  	v16 =	vld.idx.msk [tilespmem:v16+s13+$0x0], $0xffff;
	v36 =	vadd.s32 $0xBBB, v22;
	v24 =	vcvt.f32.s32 v56;
	v56 =	vcvt.f32.s32 v54  }
0x70: {  	[tilespmem:s31+$0x8080] =	vst v10;
	v51 =	vsub.f32 v31, v33;
	v27 =	vmul.f32 $1.000000000e+03, v27;
	v57 =	vmul.f32 v11, v5;
	v11 =	vld.idx.msk [tilespmem:v35+s15+$0x0], $0xffff  }
0x71: {  	v10 =	vld.idx.msk [tilespmem:v18+s15+$0x0], $0xffff;
	v59 =	vcvt.s32.f32 v20;
	v38 =	vadd.s32 $0xBBB, v24;
	v24 =	vcvt.s32.f32 v24  }
0x72: {  	v35 =	vld.idx.msk [tilespmem:v35+s13+$0x0], $0xffff;
	v0 =	vmul.f32 v5, v0;
	v29 =	vadd.f32 v57, v29;
	v23 =	vmul.f32 v23, v9  }
0x73: {  	v33 =	vld [tilespmem:s0+$0x380];
	v19 =	vsub.f32 v19, v24;
	v24 =	vtrunc.f32 v60;
	v57 =	vtrunc.f32 v27  }
0x74: {  	v18 =	vld.idx.msk [tilespmem:v18+s13+$0x0], $0xffff;
	v4 =	vmul.f32 v9, v4;
	v24 =	vcvt.f32.s32 v24;
	[tilespmem:s23+$0x8100] =	vst v29;
	v16 =	vadd.f32 v23, v16  }
0x75: {  	v20 =	vadd.s32 $0xBBB, v20;
	v23 =	vmul.f32 $1.000000000e+03, v14;
	v12 =	vld.idx.msk [tilespmem:v36+s15+$0x0], $0xffff;
	v25 =	vmul.f32 v25, v11  }
0x76: {  	v15 =	vsub.f32 v15, v58;
	v14 =	vcvt.s32.f32 v22;
	v2 =	vmul.f32 v10, v2;
	v22 =	vld.idx.msk [tilespmem:v36+s13+$0x0], $0xffff;
	[tilespmem:s18+$0x8100] =	vst v16  }
0x77: {  	v1 =	vmul.f32 v11, v1;
	v16 =	vmul.f32 v13, v10;
	v13 =	vld.idx.msk [tilespmem:v30+s15+$0x0], $0xffff;
	v25 =	vadd.f32 v25, v35  }
0x78: {  	s7 =	sor.u32 s2, s8;
	v14 =	vsub.f32 v21, v14;
	v21 =	vcvt.f32.s32 v62;
	v45 =	vtrunc.f32 v23;
	v30 =	vld.idx.msk [tilespmem:v30+s13+$0x0], $0xffff  }
0x79: {  	v16 =	vadd.f32 v16, v18;
	v18 =	vcvt.f32.s32 v45;
	v45 =	vmul.f32 $1.000000000e+03, v41;
	v41 =	vld [tilespmem:s7+$0x280];
	[tilespmem:s0+$0x8100] =	vst v25  }
0x7a: {  	v39 =	vadd.s32 $0xFA4, v21;
	v21 =	vcvt.s32.f32 v21;
	v46 =	vmul.f32 v14, v12;
	v14 =	vld.idx.msk [tilespmem:v20+s15+$0x0], $0xffff  }
0x7b: {  	v17 =	vsub.f32 v17, v59;
	v25 =	vmul.f32 $1.000000000e+03, v26;
	v26 =	vcvt.s32.f32 v24;
	v20 =	vld.idx.msk [tilespmem:v20+s13+$0x0], $0xffff;
	[tilespmem:s31+$0x8100] =	vst v16  }
0x7c: {  	v24 =	vadd.s32 $0xFA4, v24;
	v49 =	vcvt.s32.f32 v18;
	v52 =	vld.idx.msk [tilespmem:v38+s13+$0x0], $0xffff;
	v22 =	vadd.f32 v46, v22  }
0x7d: {  	v48 =	vadd.s32 $0xFA4, v18;
	v55 =	vtrunc.f32 v25;
	v16 =	vmul.f32 v15, v13;
	v15 =	vld.idx.msk [tilespmem:v38+s15+$0x0], $0xffff  }
0x7e: {  	v0 =	vmul.f32 v12, v0;
	v38 =	vcvt.f32.s32 v55;
	[tilespmem:s23+$0x8180] =	vst v22;
	v22 =	vsub.f32 v60, v26;
	v60 =	vld [tilespmem:s18+$0x380]  }
0x7f: {  	v4 =	vmul.f32 v13, v4;
	v26 =	vmul.f32 $1.000000000e+03, v53;
	v16 =	vadd.f32 v16, v30;
	v18 =	vld.idx.msk [tilespmem:v39+s15+$0x0], $0xffff  }
0x80: {  	v53 =	vld.idx.msk [tilespmem:v39+s13+$0x0], $0xffff;
	v17 =	vmul.f32 v17, v14;
	v39 =	vcvt.f32.s32 v57  }
0x81: {  	v59 =	vld [tilespmem:s23+$0x300];
	v21 =	vsub.f32 v61, v21;
	v41 =	vmul.f32 $1.000000000e+03, v41;
	v42 =	vcvt.s32.f32 v38;
	[tilespmem:s18+$0x8180] =	vst v16  }
0x82: {  	v16 =	vld.idx.msk [tilespmem:v24+s15+$0x0], $0xffff;
	v17 =	vadd.f32 v17, v20;
	v19 =	vmul.f32 v19, v15;
	v61 =	vcvt.s32.f32 v39  }
0x83: {  	v1 =	vmul.f32 v14, v1;
	v24 =	vld.idx.msk [tilespmem:v24+s13+$0x0], $0xffff;
	v20 =	vtrunc.f32 v26  }
0x84: {  	v20 =	vcvt.f32.s32 v20;
	[tilespmem:s0+$0x8180] =	vst v17;
	v19 =	vadd.f32 v19, v52;
	v27 =	vsub.f32 v27, v61;
	v61 =	vld [tilespmem:s6+$0x100]  }
0x85: {  	v58 =	vadd.s32 $0x138D, v56;
	v2 =	vmul.f32 v15, v2;
	v28 =	vmul.f32 $1.000000000e+03, v60;
	v17 =	vld.idx.msk [tilespmem:v47+s15+$0x0], $0xffff  }
0x86: {  	v21 =	vmul.f32 v21, v18;
	v43 =	vadd.s32 $0x138D, v20;
	v35 =	vld.idx.msk [tilespmem:v47+s13+$0x0], $0xffff;
	v20 =	vcvt.s32.f32 v20;
	[tilespmem:s31+$0x8180] =	vst v19  }
0x87: {  	v38 =	vadd.s32 $0x138D, v38;
	v47 =	vtrunc.f32 v34;
	v0 =	vmul.f32 v18, v0;
	v44 =	vld.idx.msk [tilespmem:v48+s15+$0x0], $0xffff  }
0x88: {  	s26 =	sor.u32 $0x30, s2;
	s12 =	sor.u32 $0x20, s2;
	v40 =	vcvt.f32.s32 v47;
	v21 =	vadd.f32 v21, v53;
	v20 =	vsub.f32 v26, v20;
	v26 =	vld.idx.msk [tilespmem:v48+s13+$0x0], $0xffff  }
0x89: {  	s14 =	sor.u32 s8, s26;
	s8 =	sor.u32 s8, s12;
	v5 =	vtrunc.f32 v28;
	v19 =	vmul.f32 v22, v16;
	v22 =	vadd.s32 $0x138D, v39;
	v53 =	vld [tilespmem:s23+$0x380]  }
0x8a: {  	v12 =	vcvt.f32.s32 v5;
	v39 =	vld [tilespmem:s8+$0x180];
	v54 =	vcvt.s32.f32 v40;
	[tilespmem:s23+$0x8200] =	vst v21;
	v21 =	vsub.f32 v25, v42  }
0x8b: {  	v25 =	vmul.f32 $1.000000000e+03, v63;
	v19 =	vadd.f32 v19, v24;
	v24 =	vmul.f32 $1.000000000e+03, v59;
	v62 =	vld.idx.msk [tilespmem:v58+s15+$0x0], $0xffff  }
0x8c: {  	v63 =	vcvt.s32.f32 v56;
	v30 =	vmul.f32 v51, v17;
	v46 =	vld.idx.msk [tilespmem:v58+s13+$0x0], $0xffff  }
0x8d: {  	v23 =	vsub.f32 v23, v49;
	v51 =	vtrunc.f32 v45;
	v1 =	vmul.f32 v17, v1;
	v17 =	vld [tilespmem:s7+$0x0]  }
0x8e: {  	[tilespmem:s18+$0x8200] =	vst v19;
	v19 =	vtrunc.f32 v24;
	v29 =	vsub.f32 v50, v63;
	v49 =	vtrunc.f32 v25;
	v63 =	vld [tilespmem:s8+$0x100]  }
0x8f: {  	v48 =	vld.idx.msk [tilespmem:v38+s15+$0x0], $0xffff;
	v19 =	vcvt.f32.s32 v19;
	v23 =	vmul.f32 v23, v44  }
0x90: {  	v30 =	vadd.f32 v30, v35;
	v50 =	vld.idx.msk [tilespmem:v38+s13+$0x0], $0xffff;
	v35 =	vcvt.f32.s32 v49;
	v38 =	vcvt.f32.s32 v51  }
0x91: {  	v8 =	vmul.f32 $1.000000000e+03, v53;
	v2 =	vmul.f32 v44, v2;
	v44 =	vld [tilespmem:s6+$0x200]  }
0x92: {  	v52 =	vadd.s32 $0x1776, v19;
	[tilespmem:s0+$0x8200] =	vst v30;
	v23 =	vadd.f32 v23, v26;
	v26 =	vld [tilespmem:s31+$0x380];
	v29 =	vmul.f32 v29, v62  }
0x93: {  	v39 =	vmul.f32 $1.000000000e+03, v39;
	v6 =	vcvt.s32.f32 v38;
	v7 =	vld.idx.msk [tilespmem:v43+s15+$0x0], $0xffff  }
0x94: {  	v19 =	vcvt.s32.f32 v19;
	v30 =	vmul.f32 $1.000000000e+03, v61;
	v55 =	vld.idx.msk [tilespmem:v43+s13+$0x0], $0xffff;
	[tilespmem:s31+$0x8200] =	vst v23;
	v29 =	vadd.f32 v29, v46  }
0x95: {  	v40 =	vadd.s32 $0x1776, v40;
	v0 =	vmul.f32 v62, v0;
	v21 =	vmul.f32 v21, v48;
	v56 =	vld.idx.msk [tilespmem:v22+s15+$0x0], $0xffff  }
0x96: {  	v5 =	vadd.s32 $0x1B5F, v12;
	v17 =	vmul.f32 $1.000000000e+03, v17;
	v23 =	vcvt.s32.f32 v35;
	v22 =	vld.idx.msk [tilespmem:v22+s13+$0x0], $0xffff;
	[tilespmem:s23+$0x8280] =	vst v29  }
0x97: {  	v19 =	vsub.f32 v24, v19;
	v24 =	vmul.f32 $1.000000000e+03, v33;
	v21 =	vadd.f32 v21, v50;
	v29 =	vld.idx.msk [tilespmem:v52+s15+$0x0], $0xffff  }
0x98: {  	v35 =	vadd.s32 $0x1776, v35;
	v20 =	vmul.f32 v20, v7;
	v58 =	vld.idx.msk [tilespmem:v52+s13+$0x0], $0xffff;
	v1 =	vmul.f32 v7, v1  }
0x99: {  	v6 =	vsub.f32 v45, v6;
	v7 =	vcvt.s32.f32 v12;
	v12 =	vld [tilespmem:s8+$0x0];
	[tilespmem:s18+$0x8280] =	vst v21;
	v21 =	vtrunc.f32 v8  }
0x9a: {  	v45 =	vtrunc.f32 v30;
	v59 =	vld.idx.msk [tilespmem:v40+s15+$0x0], $0xffff;
	v21 =	vcvt.f32.s32 v21;
	v20 =	vadd.f32 v20, v55  }
0x9b: {  	v57 =	vadd.s32 $0x1776, v38;
	v27 =	vmul.f32 v27, v56;
	v2 =	vmul.f32 v56, v2;
	v56 =	vld [tilespmem:s14+$0x100]  }
0x9c: {  	v32 =	vmul.f32 $1.000000000e+03, v63;
	v45 =	vcvt.f32.s32 v45;
	v9 =	vld.idx.msk [tilespmem:v40+s13+$0x0], $0xffff;
	[tilespmem:s0+$0x8280] =	vst v20  }
0x9d: {  	v20 =	vadd.f32 v27, v22;
	v3 =	vmul.f32 v19, v29;
	v19 =	vadd.s32 $0x1B5F, v21;
	v11 =	vld.idx.msk [tilespmem:v35+s15+$0x0], $0xffff  }
0x9e: {  	v34 =	vsub.f32 v34, v54;
	v44 =	vmul.f32 $1.000000000e+03, v44;
	v22 =	vmul.f32 $1.000000000e+03, v26;
	v14 =	vld.idx.msk [tilespmem:v35+s13+$0x0], $0xffff  }
0x9f: {  	v13 =	vcvt.s32.f32 v21;
	v0 =	vmul.f32 v29, v0;
	v35 =	vld [tilespmem:s7+$0x180];
	[tilespmem:s31+$0x8280] =	vst v20;
	v3 =	vadd.f32 v3, v58  }
0xa0: {  	v46 =	vmul.f32 $1.000000000e+03, v12;
	v20 =	vld.idx.msk [tilespmem:v57+s15+$0x0], $0xffff;
	v42 =	vmul.f32 $1.000000000e+03, v56  }
0xa1: {  	v23 =	vsub.f32 v25, v23;
	v25 =	vtrunc.f32 v22;
	v10 =	vmul.f32 v34, v59;
	[tilespmem:s23+$0x8300] =	vst v3  }
0xa2: {  	v13 =	vsub.f32 v8, v13;
	v3 =	vtrunc.f32 v24;
	v61 =	vtrunc.f32 v42;
	v26 =	vld.idx.msk [tilespmem:v19+s15+$0x0], $0xffff  }
0xa3: {  	v9 =	vadd.f32 v10, v9;
	v10 =	vmul.f32 v23, v11;
	v8 =	vcvt.f32.s32 v3  }
0xa4: {  	v34 =	vld [tilespmem:s8+$0x200];
	v1 =	vmul.f32 v11, v1;
	v11 =	vtrunc.f32 v17  }
0xa5: {  	v35 =	vmul.f32 $1.000000000e+03, v35;
	v15 =	vmul.f32 v6, v20  }
0xa6: {  	v6 =	vcvt.f32.s32 v25;
	v21 =	vcvt.s32.f32 v8  }
0xa7: {  	v18 =	vld.idx.msk [tilespmem:v57+s13+$0x0], $0xffff;
	v56 =	vtrunc.f32 v35;
	v0 =	vmul.f32 v26, v0  }
0xa8: {  	v3 =	vmul.f32 v13, v26;
	v13 =	vmul.f32 v16, v4;
	v16 =	vld [tilespmem:s14+$0x0]  }
0xa9: {  	[tilespmem:s18+$0x8300] =	vst v9;
	v34 =	vmul.f32 $1.000000000e+03, v34;
	v26 =	vld [tilespmem:s6+$0x80];
	v4 =	vmul.f32 $1.000000010e+24, v0  }
0xaa: {  	v9 =	vld.idx.msk [tilespmem:v5+s15+$0x0], $0xffff;
	v0 =	vmul.f32 v48, v13;
	v48 =	vcvt.f32.s32 v11  }
0xab: {  	v25 =	vcvt.s32.f32 v6;
	v13 =	vld [tilespmem:s6+$0x0];
	v11 =	vtrunc.f32 v46  }
0xac: {  	v50 =	vcvt.f32.s32 v11;
	v11 =	vadd.f32 v15, v18;
	v15 =	vcvt.s32.f32 v48  }
0xad: {  	v27 =	vmul.f32 $1.000000000e+03, v16;
	v16 =	vmul.f32 v59, v0  }
0xae: {  	v0 =	vmul.f32 v20, v2;
	v26 =	vmul.f32 $1.000000000e+03, v26  }
0xaf: {  	v7 =	vsub.f32 v28, v7;
	v19 =	vld.idx.msk [tilespmem:v19+s13+$0x0], $0xffff;
	v2 =	vtrunc.f32 v27;
	v16 =	vmul.f32 v9, v16  }
0xb0: {  	v23 =	vld [tilespmem:s7+$0x80];
	v62 =	vmul.f32 $1.000000000e+03, v13;
	v2 =	vcvt.f32.s32 v2  }
0xb1: {  	v47 =	vld [tilespmem:s14+$0x80];
	v9 =	vmul.f32 v7, v9;
	v53 =	vtrunc.f32 v26  }
0xb2: {  	v20 =	vld [tilespmem:s7+$0x100];
	v40 =	vcvt.f32.s32 v53;
	v53 =	vcvt.s32.f32 v45  }
0xb3: {  	v60 =	vld [tilespmem:s8+$0x80];
	v17 =	vsub.f32 v17, v15;
	v12 =	vtrunc.f32 v62;
	v7 =	vmul.f32 $1.000000010e+24, v16  }
0xb4: {  	v49 =	vcvt.f32.s32 v12;
	v12 =	vadd.f32 v10, v14;
	v10 =	vadd.f32 v3, v19  }
0xb5: {  	v18 =	vld.idx.msk [tilespmem:v48+s15+$0x0], $0xffff;
	v19 =	vmul.f32 $1.000000000e+03, v23;
	v3 =	vsub.f32 v24, v21;
	v24 =	vcvt.s32.f32 v2  }
0xb6: {  	v23 =	vmul.f32 $1.000000000e+03, v47;
	v59 =	vadd.s32 $0x3E9, v40;
	v40 =	vcvt.s32.f32 v40;
	v13 =	vld.idx.msk [tilespmem:v2+s15+$0x0], $0xffff  }
0xb7: {  	v5 =	vld.idx.msk [tilespmem:v5+s13+$0x0], $0xffff;
	v20 =	vmul.f32 $1.000000000e+03, v20;
	v21 =	vcvt.s32.f32 v49;
	v24 =	vsub.f32 v27, v24  }
0xb8: {  	v27 =	vmul.f32 $1.000000000e+03, v60;
	v51 =	vld.idx.msk [tilespmem:v2+s13+$0x0], $0xffff;
	v2 =	vsub.f32 v22, v25;
	v25 =	vtrunc.f32 v23  }
0xb9: {  	v28 =	vld.idx.msk [tilespmem:v48+s13+$0x0], $0xffff;
	v52 =	vtrunc.f32 v19;
	v25 =	vcvt.f32.s32 v25  }
0xba: {  	v29 =	vcvt.f32.s32 v52;
	v58 =	vmul.f32 v17, v18;
	v16 =	vld.idx.msk [tilespmem:v49+s15+$0x0], $0xffff  }
0xbb: {  	v15 =	vld.idx.msk [tilespmem:v50+s15+$0x0], $0xffff;
	v52 =	vtrunc.f32 v32;
	v54 =	vadd.s32 $0x3E9, v25;
	v24 =	vmul.f32 v24, v13  }
0xbc: {  	v22 =	vcvt.s32.f32 v50;
	v57 =	vcvt.s32.f32 v29;
	v29 =	vadd.s32 $0x3E9, v29;
	v36 =	vld.idx.msk [tilespmem:v49+s13+$0x0], $0xffff  }
0xbd: {  	v14 =	vld [tilespmem:s7+$0x200];
	v21 =	vsub.f32 v62, v21;
	v55 =	vtrunc.f32 v27;
	v24 =	vadd.f32 v24, v51  }
0xbe: {  	v38 =	vld.idx.msk [tilespmem:v50+s13+$0x0], $0xffff;
	v31 =	vcvt.f32.s32 v55;
	v28 =	vadd.f32 v58, v28;
	v22 =	vsub.f32 v46, v22  }
0xbf: {  	v30 =	vsub.f32 v30, v53;
	v53 =	vld [tilespmem:s8+$0x300];
	v58 =	vcvt.f32.s32 v56;
	v21 =	vmul.f32 v21, v16;
	[tilespmem:s14+$0x8000] =	vst v24  }
0xc0: {  	v33 =	vsub.f32 v19, v57;
	v19 =	vcvt.s32.f32 v25;
	[tilespmem:s7+$0x8000] =	vst v28;
	v22 =	vmul.f32 v22, v15;
	v17 =	vld.idx.msk [tilespmem:v54+s15+$0x0], $0xffff  }
0xc1: {  	v24 =	vcvt.s32.f32 v31;
	v31 =	vadd.s32 $0x3E9, v31;
	v60 =	vadd.f32 v21, v36;
	v21 =	vld.idx.msk [tilespmem:v29+s15+$0x0], $0xffff  }
0xc2: {  	v45 =	vadd.s32 $0x7D2, v45;
	v14 =	vmul.f32 $1.000000000e+03, v14;
	v36 =	vcvt.f32.s32 v61;
	v25 =	vld.idx.msk [tilespmem:v54+s13+$0x0], $0xffff  }
0xc3: {  	v46 =	vld [tilespmem:s14+$0x180];
	v23 =	vsub.f32 v23, v19;
	v19 =	vtrunc.f32 v20;
	v22 =	vadd.f32 v22, v38  }
0xc4: {  	v53 =	vmul.f32 $1.000000000e+03, v53;
	v62 =	vcvt.f32.s32 v19;
	v29 =	vld.idx.msk [tilespmem:v29+s13+$0x0], $0xffff;
	[tilespmem:s6+$0x8000] =	vst v60;
	v63 =	vadd.s32 $0x7D2, v36  }
0xc5: {  	[tilespmem:s8+$0x8000] =	vst v22;
	v24 =	vsub.f32 v27, v24;
	v27 =	vcvt.f32.s32 v52;
	v19 =	vld.idx.msk [tilespmem:v59+s15+$0x0], $0xffff;
	v23 =	vmul.f32 v23, v17  }
0xc6: {  	v26 =	vsub.f32 v26, v40;
	v57 =	vtrunc.f32 v37;
	v61 =	vcvt.s32.f32 v58;
	v22 =	vld.idx.msk [tilespmem:v31+s15+$0x0], $0xffff  }
0xc7: {  	v43 =	vld.idx.msk [tilespmem:v59+s13+$0x0], $0xffff;
	v47 =	vcvt.s32.f32 v27;
	v33 =	vmul.f32 v33, v21;
	v23 =	vadd.f32 v23, v25  }
0xc8: {  	v28 =	vadd.s32 $0x7D2, v62;
	v31 =	vld.idx.msk [tilespmem:v31+s13+$0x0], $0xffff;
	v21 =	vmul.f32 v21, v18;
	v25 =	vcvt.s32.f32 v62  }
0xc9: {  	v60 =	vld [tilespmem:s14+$0x200];
	v13 =	vmul.f32 v17, v13;
	[tilespmem:s14+$0x8080] =	vst v23;
	v23 =	vadd.f32 v33, v29;
	v33 =	vmul.f32 $1.000000000e+03, v46  }
0xca: {  	v48 =	vsub.f32 v20, v25;
	v25 =	vmul.f32 v26, v19;
	v26 =	vcvt.s32.f32 v36;
	v20 =	vld.idx.msk [tilespmem:v63+s15+$0x0], $0xffff  }
0xcb: {  	v54 =	vadd.s32 $0x7D2, v27;
	v16 =	vmul.f32 v19, v16;
	v29 =	vld [tilespmem:s6+$0x280];
	v24 =	vmul.f32 v24, v22  }
0xcc: {  	v22 =	vmul.f32 v22, v15;
	v27 =	vld.idx.msk [tilespmem:v63+s13+$0x0], $0xffff;
	[tilespmem:s7+$0x8080] =	vst v23;
	v55 =	vtrunc.f32 v33;
	v26 =	vsub.f32 v42, v26  }
0xcd: {  	v25 =	vadd.f32 v25, v43;
	v24 =	vadd.f32 v24, v31;
	v23 =	vld.idx.msk [tilespmem:v28+s15+$0x0], $0xffff;
	v38 =	vcvt.f32.s32 v55  }
0xce: {  	v36 =	vld [tilespmem:s8+$0x280];
	v31 =	vadd.s32 $0xBBB, v58;
	v42 =	vmul.f32 $1.000000000e+03, v60;
	v58 =	vtrunc.f32 v44  }
0xcf: {  	v28 =	vld.idx.msk [tilespmem:v28+s13+$0x0], $0xffff;
	[tilespmem:s6+$0x8080] =	vst v25;
	v25 =	vcvt.f32.s32 v57;
	v49 =	vadd.s32 $0xBBB, v38;
	v59 =	vmul.f32 v26, v20  }
0xd0: {  	v40 =	vld [tilespmem:s7+$0x300];
	v35 =	vsub.f32 v35, v61;
	v56 =	vtrunc.f32 v42;
	v26 =	vtrunc.f32 v39  }
0xd1: {  	[tilespmem:s8+$0x8080] =	vst v24;
	v57 =	vtrunc.f32 v14;
	v24 =	vcvt.f32.s32 v26;
	v26 =	vld.idx.msk [tilespmem:v45+s15+$0x0], $0xffff;
	v27 =	vadd.f32 v59, v27  }
0xd2: {  	v62 =	vcvt.s32.f32 v25;
	v50 =	vadd.s32 $0xBBB, v25;
	v25 =	vld.idx.msk [tilespmem:v54+s15+$0x0], $0xffff;
	v48 =	vmul.f32 v48, v23  }
0xd3: {  	v32 =	vsub.f32 v32, v47;
	v38 =	vcvt.s32.f32 v38;
	v47 =	vcvt.f32.s32 v57;
	v45 =	vld.idx.msk [tilespmem:v45+s13+$0x0], $0xffff;
	[tilespmem:s14+$0x8100] =	vst v27  }
0xd4: {  	v55 =	vmul.f32 $1.000000000e+03, v29;
	v36 =	vmul.f32 $1.000000000e+03, v36;
	v28 =	vadd.f32 v48, v28;
	v27 =	vld.idx.msk [tilespmem:v49+s15+$0x0], $0xffff  }
0xd5: {  	v46 =	vld.idx.msk [tilespmem:v54+s13+$0x0], $0xffff;
	v13 =	vmul.f32 v20, v13;
	v33 =	vsub.f32 v33, v38;
	v38 =	vcvt.f32.s32 v56  }
0xd6: {  	v61 =	vcvt.s32.f32 v47;
	v37 =	vsub.f32 v37, v62;
	v63 =	vld.idx.msk [tilespmem:v49+s13+$0x0], $0xffff;
	v30 =	vmul.f32 v30, v26;
	[tilespmem:s7+$0x8100] =	vst v28  }
0xd7: {  	v59 =	vtrunc.f32 v34;
	v21 =	vmul.f32 v23, v21;
	v51 =	vadd.s32 $0xBBB, v24;
	v28 =	vld.idx.msk [tilespmem:v31+s15+$0x0], $0xffff  }
0xd8: {  	v52 =	vld [tilespmem:s14+$0x280];
	v24 =	vcvt.s32.f32 v24;
	v32 =	vmul.f32 v32, v25;
	v30 =	vadd.f32 v30, v45  }
0xd9: {  	v60 =	vadd.s32 $0xFA4, v38;
	v14 =	vsub.f32 v14, v61;
	v48 =	vld.idx.msk [tilespmem:v31+s13+$0x0], $0xffff;
	v33 =	vmul.f32 v33, v27  }
0xda: {  	v61 =	vtrunc.f32 v41;
	v24 =	vsub.f32 v39, v24;
	v39 =	vld [tilespmem:s6+$0x300];
	v32 =	vadd.f32 v32, v46;
	[tilespmem:s6+$0x8100] =	vst v30  }
0xdb: {  	v49 =	vcvt.f32.s32 v61;
	v31 =	vcvt.f32.s32 v58;
	v30 =	vld.idx.msk [tilespmem:v50+s15+$0x0], $0xffff;
	v33 =	vadd.f32 v33, v63  }
0xdc: {  	v62 =	vadd.s32 $0xFA4, v47;
	v38 =	vcvt.s32.f32 v38;
	[tilespmem:s8+$0x8100] =	vst v32;
	v63 =	vld.idx.msk [tilespmem:v50+s13+$0x0], $0xffff;
	v57 =	vmul.f32 v35, v28  }
0xdd: {  	v61 =	vcvt.s32.f32 v49;
	v58 =	vcvt.s32.f32 v31;
	v50 =	vadd.s32 $0xFA4, v31;
	v31 =	vld.idx.msk [tilespmem:v51+s15+$0x0], $0xffff;
	[tilespmem:s14+$0x8180] =	vst v33  }
0xde: {  	v45 =	vcvt.f32.s32 v59;
	v59 =	vadd.f32 v57, v48;
	v48 =	vmul.f32 $1.000000000e+03, v52;
	v33 =	vld.idx.msk [tilespmem:v60+s15+$0x0], $0xffff  }
0xdf: {  	v38 =	vsub.f32 v42, v38;
	v22 =	vmul.f32 v25, v22;
	v16 =	vmul.f32 v26, v16;
	v32 =	vld.idx.msk [tilespmem:v51+s13+$0x0], $0xffff  }
0xe0: {  	v41 =	vsub.f32 v41, v61;
	v43 =	vld.idx.msk [tilespmem:v60+s13+$0x0], $0xffff;
	[tilespmem:s7+$0x8180] =	vst v59;
	v37 =	vmul.f32 v37, v30;
	v60 =	vtrunc.f32 v48  }
0xe1: {  	v54 =	vadd.s32 $0xFA4, v45;
	v45 =	vcvt.s32.f32 v45;
	v29 =	vld.idx.msk [tilespmem:v62+s15+$0x0], $0xffff;
	v42 =	vcvt.f32.s32 v60  }
0xe2: {  	v35 =	vsub.f32 v44, v58;
	v52 =	vld [tilespmem:s14+$0x300];
	v24 =	vmul.f32 v24, v31;
	v37 =	vadd.f32 v37, v63  }
0xe3: {  	v44 =	vsub.f32 v34, v45;
	v45 =	vld.idx.msk [tilespmem:v62+s13+$0x0], $0xffff;
	v51 =	vadd.s32 $0x138D, v42;
	v38 =	vmul.f32 v38, v33  }
0xe4: {  	v56 =	vld [tilespmem:s7+$0x380];
	v39 =	vmul.f32 $1.000000000e+03, v39;
	v62 =	vtrunc.f32 v55;
	v24 =	vadd.f32 v24, v32;
	[tilespmem:s6+$0x8180] =	vst v37  }
0xe5: {  	v63 =	vtrunc.f32 v36;
	v34 =	vcvt.f32.s32 v62;
	v32 =	vld.idx.msk [tilespmem:v50+s15+$0x0], $0xffff;
	v38 =	vadd.f32 v38, v43  }
0xe6: {  	v62 =	vadd.s32 $0x138D, v49;
	v60 =	vcvt.f32.s32 v63;
	v63 =	vld.idx.msk [tilespmem:v50+s13+$0x0], $0xffff;
	[tilespmem:s8+$0x8180] =	vst v24;
	v14 =	vmul.f32 v14, v29  }
0xe7: {  	v13 =	vmul.f32 v27, v13;
	v50 =	vadd.s32 $0x138D, v34;
	v24 =	vcvt.s32.f32 v34;
	v34 =	vld.idx.msk [tilespmem:v54+s15+$0x0], $0xffff;
	[tilespmem:s14+$0x8200] =	vst v38  }
0xe8: {  	v61 =	vtrunc.f32 v39;
	v14 =	vadd.f32 v14, v45;
	v45 =	vmul.f32 $1.000000000e+03, v52;
	v43 =	vld.idx.msk [tilespmem:v51+s15+$0x0], $0xffff  }
0xe9: {  	v21 =	vmul.f32 v28, v21;
	v42 =	vcvt.s32.f32 v42;
	v57 =	vld.idx.msk [tilespmem:v54+s13+$0x0], $0xffff  }
0xea: {  	v58 =	vld.idx.msk [tilespmem:v51+s13+$0x0], $0xffff;
	[tilespmem:s7+$0x8200] =	vst v14;
	v35 =	vmul.f32 v35, v32;
	v59 =	vtrunc.f32 v45  }
0xeb: {  	v37 =	vmul.f32 $1.000000000e+03, v40;
	v42 =	vsub.f32 v48, v42;
	v14 =	vld.idx.msk [tilespmem:v62+s15+$0x0], $0xffff;
	v48 =	vcvt.f32.s32 v59  }
0xec: {  	v38 =	vadd.s32 $0x138D, v60;
	v47 =	vld.idx.msk [tilespmem:v62+s13+$0x0], $0xffff;
	v44 =	vmul.f32 v44, v34;
	v35 =	vadd.f32 v35, v63  }
0xed: {  	v40 =	vcvt.s32.f32 v60;
	v62 =	vld [tilespmem:s14+$0x380];
	v51 =	vadd.s32 $0x1776, v48;
	v42 =	vmul.f32 v42, v43  }
0xee: {  	v30 =	vmul.f32 v30, v16;
	v60 =	vtrunc.f32 v37;
	v44 =	vadd.f32 v44, v57;
	[tilespmem:s6+$0x8200] =	vst v35;
	v35 =	vld [tilespmem:s8+$0x380]  }
0xef: {  	v36 =	vsub.f32 v36, v40;
	v54 =	vcvt.f32.s32 v60;
	v18 =	vld.idx.msk [tilespmem:v50+s15+$0x0], $0xffff;
	v40 =	vadd.f32 v42, v58  }
0xf0: {  	v49 =	vcvt.f32.s32 v61;
	[tilespmem:s8+$0x8200] =	vst v44;
	v50 =	vld.idx.msk [tilespmem:v50+s13+$0x0], $0xffff;
	v41 =	vmul.f32 v41, v14  }
0xf1: {  	v24 =	vsub.f32 v55, v24;
	v59 =	vadd.s32 $0x1776, v54;
	v63 =	vtrunc.f32 v53;
	v19 =	vld.idx.msk [tilespmem:v38+s15+$0x0], $0xffff;
	[tilespmem:s14+$0x8280] =	vst v40  }
0xf2: {  	v57 =	vcvt.s32.f32 v54;
	v41 =	vadd.f32 v41, v47;
	v47 =	vmul.f32 $1.000000000e+03, v62;
	v42 =	vld.idx.msk [tilespmem:v51+s15+$0x0], $0xffff  }
0xf3: {  	v48 =	vcvt.s32.f32 v48;
	v54 =	vadd.s32 $0x1B5F, v8;
	v58 =	vcvt.f32.s32 v63;
	v38 =	vld.idx.msk [tilespmem:v38+s13+$0x0], $0xffff  }
0xf4: {  	v62 =	vadd.s32 $0x1776, v49;
	v63 =	vld.idx.msk [tilespmem:v51+s13+$0x0], $0xffff;
	v8 =	vmul.f32 v24, v18;
	v15 =	vtrunc.f32 v47  }
0xf5: {  	v46 =	vld [tilespmem:s6+$0x380];
	v37 =	vsub.f32 v37, v57;
	v45 =	vsub.f32 v45, v48;
	[tilespmem:s7+$0x8280] =	vst v41;
	v57 =	vcvt.f32.s32 v15  }
0xf6: {  	[tilespmem:s31+$0x8300] =	vst v11;
	v44 =	vadd.s32 $0x1776, v58;
	v15 =	vld.idx.msk [tilespmem:v59+s15+$0x0], $0xffff;
	v36 =	vmul.f32 v36, v19;
	v50 =	vadd.f32 v8, v50  }
0xf7: {  	[tilespmem:s0+$0x8300] =	vst v12;
	v61 =	vcvt.s32.f32 v58;
	v58 =	vld.idx.msk [tilespmem:v59+s13+$0x0], $0xffff;
	v59 =	vadd.s32 $0x1B5F, v57;
	v17 =	vmul.f32 v45, v42  }
0xf8: {  	v31 =	vmul.f32 v31, v22;
	v13 =	vmul.f32 v33, v13;
	v11 =	vadd.f32 v36, v38;
	[tilespmem:s6+$0x8280] =	vst v50  }
0xf9: {  	[tilespmem:s23+$0x8380] =	vst v10;
	v12 =	vmul.f32 $1.000000000e+03, v35;
	v24 =	vmul.f32 $1.000000000e+03, v56;
	v10 =	vld.idx.msk [tilespmem:v62+s15+$0x0], $0xffff;
	v17 =	vadd.f32 v17, v63  }
0xfa: {  	s24 =	simm.s32 $0x0;
	v25 =	vadd.s32 $0x1B5F, v6;
	v60 =	vcvt.s32.f32 v49;
	v8 =	vmul.f32 $1.000000000e+03, v46;
	v6 =	vld.idx.msk [tilespmem:v62+s13+$0x0], $0xffff;
	[tilespmem:s8+$0x8280] =	vst v11  }
0xfb: {  	s11 =	sand.u32 $0x3FFFFF80, s24;
	v26 =	vtrunc.f32 v12;
	v20 =	vtrunc.f32 v24;
	v11 =	vld.idx.msk [tilespmem:v44+s15+$0x0], $0xffff;
	[tilespmem:s14+$0x8300] =	vst v17  }
0xfc: {  	v5 =	vadd.f32 v9, v5;
	s23 =	sadd.s32 $0x10000, s11;
	v16 =	vcvt.s32.f32 v57;
	v9 =	vtrunc.f32 v8;
	v27 =	vld.idx.msk [tilespmem:v59+s15+$0x0], $0xffff  }
0xfd: {  	s19 =	sor.u32 s19, s23;
	v62 =	vmul.f32 v43, v13;
	v13 =	vcvt.f32.s32 v20;
	v17 =	vsub.f32 v39, v60;
	v60 =	vld.idx.msk [tilespmem:v44+s13+$0x0], $0xffff  }
0xfe: {  	[tilespmem:s19+$0x0] =	vst v4;
	v4 =	vsub.f32 v53, v61;
	v20 =	vcvt.f32.s32 v26;
	v23 =	vmul.f32 v37, v15;
	v61 =	vld.idx.msk [tilespmem:v59+s13+$0x0], $0xffff  }
0xff: {  	[tilespmem:s18+$0x8380] =	vst v5;
	s16 =	sor.u32 s16, s23;
	v5 =	vsub.f32 v47, v16;
	v35 =	vmul.f32 v42, v62;
	v17 =	vmul.f32 v17, v10  }
0x100: {  	[tilespmem:s16+$0x0] =	vst v7;
	v7 =	vld.idx.msk [tilespmem:v25+s15+$0x0], $0xffff;
	v16 =	vadd.s32 $0x1B5F, v13;
	v23 =	vadd.f32 v23, v58;
	v4 =	vmul.f32 v4, v11  }
0x101: {  	v22 =	vld.idx.msk [tilespmem:v54+s15+$0x0], $0xffff;
	v63 =	vadd.f32 v17, v6;
	v17 =	vcvt.f32.s32 v9;
	v9 =	vmul.f32 v5, v27  }
0x102: {  	s19 =	simm.s32 $0x40;
	v26 =	vmul.f32 v32, v30;
	[tilespmem:s7+$0x8300] =	vst v23;
	v28 =	vadd.f32 v4, v60;
	v27 =	vmul.f32 v27, v35  }
0x103: {  	s30 =	sshll.u32 s29, $0xC;
	s18 =	simm.s32 $0x4;
	s24 =	sand.u32 $0x3FFFFF80, s19;
	v6 =	vld.idx.msk [tilespmem:v54+s13+$0x0], $0xffff;
	[tilespmem:s6+$0x8300] =	vst v63;
	v5 =	vmul.f32 v29, v21;
	v23 =	vadd.f32 v9, v61  }
0x104: {  	s10 =	sor.u32 s10, s23;
	s16 =	sor.u32 s28, s23;
	s19 =	sadd.s32 $0x10000, s24;
	v4 =	vadd.s32 $0x1B5F, v17;
	[tilespmem:s8+$0x8300] =	vst v28;
	v9 =	vld.idx.msk [tilespmem:v25+s13+$0x0], $0xffff;
	v25 =	vmul.f32 v34, v31;
	v21 =	vmul.f32 $1.000000010e+24, v27  }
.LBB2_3:
0x105: {  	s18 =	sadd.s32 $0x4, s18;
	v14 =	vmul.f32 v14, v5;
	v18 =	vmul.f32 v18, v26;
	v5 =	vadd.s32 $0x1B5F, v20;
	[tilespmem:s14+$0x8380] =	vst v23;
	s14 =	sor.u32 s26, s19;
	s25 =	sadd.s32 $0x40, s25  }
0x106: {  	v13 =	vcvt.s32.f32 v13;
	s23 =	sor.u32 s2, s19;
	s24 =	sshll.u32 s18, $0x7;
	v23 =	vld.idx.msk [tilespmem:v16+s15+$0x0], $0xffff;
	s2 =	sand.u32 $0x40, s25;
	v19 =	vmul.f32 v19, v25;
	[tilespmem:s14+$0x0] =	vst v21  }
0x107: {  	v17 =	vcvt.s32.f32 v17;
	v20 =	vcvt.s32.f32 v20;
	s24 =	sand.u32 $0xFFFFFC00, s24;
	s28 =	sor.u32 $0x10, s2;
	s26 =	sor.u32 $0x30, s2;
	v16 =	vld.idx.msk [tilespmem:v16+s13+$0x0], $0xffff  }
0x108: {  	s1 =	sor.u32 $0x20, s2;
	v14 =	vmul.f32 v15, v14;
	v13 =	vsub.f32 v24, v13;
	v10 =	vmul.f32 v10, v18;
	s11 =	sor.u32 s2, s24;
	s14 =	sor.u32 s24, s26  }
0x109: {  	s5 =	sor.u32 s9, s19;
	v8 =	vsub.f32 v8, v17;
	v12 =	vsub.f32 v12, v20;
	s3 =	sor.u32 s24, s28;
	s24 =	sor.u32 s24, s1;
	v11 =	vmul.f32 v11, v19;
	v15 =	vld [tilespmem:s14+$0x0]  }
0x10a: {  	s19 =	sor.u32 s12, s19;
	p1 =	slt.u32 s18, $0x7C;
	v18 =	vmul.f32 v22, v1;
	v19 =	vmul.f32 v3, v22;
	s9 =	smov.u32 s28;
	v1 =	vmov v10;
	v17 =	vld [tilespmem:s11+$0x0]  }
0x10b: {  	v20 =	vmul.f32 v7, v0;
	v7 =	vmul.f32 v2, v7;
	s12 =	smov.u32 s1;
	v3 =	vmovc v8;
	v2 =	vmovc v12;
	v0 =	vmov v11;
	v10 =	vld [tilespmem:s3+$0x0]  }
0x10c: {  	v6 =	vadd.f32 v19, v6;
	v11 =	vmul.f32 v23, v14;
	v12 =	vmul.f32 v13, v23;
	v8 =	vld [tilespmem:s24+$0x0]  }
0x10d: {  	v7 =	vadd.f32 v7, v9;
	v9 =	vmul.f32 $1.000000010e+24, v20;
	v14 =	vmul.f32 $1.000000010e+24, v18;
	v13 =	vld [tilespmem:s11+$0x80]  }
0x10e: {  	v12 =	vadd.f32 v12, v16;
	v11 =	vmul.f32 $1.000000010e+24, v11;
	v18 =	vld [tilespmem:s3+$0x80];
	v15 =	vmul.f32 $1.000000000e+03, v15;
	[tilespmem:s0+$0x8380] =	vst v6;
	s0 =	smov.u32 s6;
	s6 =	smov.u32 s3  }
0x10f: {  	v6 =	vmul.f32 $1.000000000e+03, v17;
	v16 =	vld [tilespmem:s24+$0x80];
	[tilespmem:s16+$0x0] =	vst v14;
	s16 =	smov.u32 s5  }
0x110: {  	v17 =	vld [tilespmem:s11+$0x100];
	v10 =	vmul.f32 $1.000000000e+03, v10;
	v14 =	vtrunc.f32 v15;
	[tilespmem:s7+$0x8380] =	vst v12;
	s7 =	smov.u32 s11  }
0x111: {  	v12 =	vld [tilespmem:s6+$0x100];
	v8 =	vmul.f32 $1.000000000e+03, v8;
	v19 =	vcvt.f32.s32 v14;
	[tilespmem:s23+$0x0] =	vst v11  }
0x112: {  	v11 =	vtrunc.f32 v6;
	v14 =	vtrunc.f32 v10;
	v20 =	vld [tilespmem:s24+$0x100];
	[tilespmem:s31+$0x8380] =	vst v7;
	s31 =	smov.u32 s8;
	s8 =	smov.u32 s24  }
0x113: {  	v11 =	vcvt.f32.s32 v11;
	v7 =	vtrunc.f32 v8;
	v21 =	vld [tilespmem:s14+$0x80];
	[tilespmem:s10+$0x0] =	vst v9;
	s10 =	smov.u32 s19  }
0x114: {  	v9 =	vcvt.f32.s32 v14;
	v22 =	vld [tilespmem:s7+$0x180];
	v23 =	vcvt.f32.s32 v7  }
0x115: {  	v13 =	vmul.f32 $1.000000000e+03, v13;
	v7 =	vcvt.s32.f32 v11;
	v24 =	vld [tilespmem:s6+$0x180]  }
0x116: {  	v25 =	vcvt.s32.f32 v9;
	v26 =	vcvt.s32.f32 v23;
	v27 =	vld [tilespmem:s8+$0x180]  }
0x117: {  	v18 =	vmul.f32 $1.000000000e+03, v18;
	v16 =	vmul.f32 $1.000000000e+03, v16;
	v28 =	vsub.f32 v6, v7;
	v6 =	vld.idx.msk [tilespmem:v19+s15+$0x0], $0xffff  }
0x118: {  	v25 =	vsub.f32 v10, v25;
	v14 =	vld [tilespmem:s7+$0x200];
	v26 =	vsub.f32 v8, v26;
	v21 =	vmul.f32 $1.000000000e+03, v21  }
0x119: {  	v29 =	vcvt.s32.f32 v19;
	v8 =	vtrunc.f32 v13;
	v19 =	vld.idx.msk [tilespmem:v19+s13+$0x0], $0xffff  }
0x11a: {  	v30 =	vtrunc.f32 v18;
	v10 =	vld.idx.msk [tilespmem:v11+s15+$0x0], $0xffff;
	v31 =	vtrunc.f32 v21  }
0x11b: {  	v15 =	vsub.f32 v15, v29;
	v32 =	vtrunc.f32 v16;
	v7 =	vld.idx.msk [tilespmem:v9+s15+$0x0], $0xffff;
	v29 =	vcvt.f32.s32 v31  }
0x11c: {  	v30 =	vcvt.f32.s32 v30;
	v31 =	vcvt.f32.s32 v8;
	v8 =	vld.idx.msk [tilespmem:v23+s15+$0x0], $0xffff  }
0x11d: {  	v32 =	vcvt.f32.s32 v32;
	v15 =	vmul.f32 v15, v6;
	v11 =	vld.idx.msk [tilespmem:v11+s13+$0x0], $0xffff;
	v33 =	vadd.s32 $0x3E9, v29  }
0x11e: {  	v35 =	vadd.s32 $0x3E9, v30;
	v34 =	vcvt.s32.f32 v31;
	v31 =	vadd.s32 $0x3E9, v31;
	v36 =	vld [tilespmem:s14+$0x100]  }
0x11f: {  	v15 =	vadd.f32 v15, v19;
	v37 =	vld.idx.msk [tilespmem:v9+s13+$0x0], $0xffff;
	v9 =	vcvt.s32.f32 v30;
	v30 =	vadd.s32 $0x3E9, v32  }
0x120: {  	v19 =	vmul.f32 v28, v10;
	v28 =	vsub.f32 v13, v34;
	v13 =	vcvt.s32.f32 v32;
	v23 =	vld.idx.msk [tilespmem:v23+s13+$0x0], $0xffff  }
0x121: {  	v17 =	vmul.f32 $1.000000000e+03, v17;
	v25 =	vmul.f32 v25, v7;
	v32 =	vsub.f32 v18, v9;
	v34 =	vld [tilespmem:s6+$0x200];
	[tilespmem:s14+$0x8000] =	vst v15  }
0x122: {  	v38 =	vmul.f32 $1.000000000e+03, v12;
	v12 =	vmul.f32 v26, v8;
	v16 =	vsub.f32 v16, v13;
	v9 =	vld.idx.msk [tilespmem:v33+s15+$0x0], $0xffff  }
0x123: {  	v11 =	vadd.f32 v19, v11;
	v19 =	vmul.f32 $1.000000000e+03, v20;
	v26 =	vld [tilespmem:s8+$0x200];
	v20 =	vmul.f32 $1.000000000e+03, v36  }
0x124: {  	v29 =	vcvt.s32.f32 v29;
	v15 =	vtrunc.f32 v17;
	v33 =	vld.idx.msk [tilespmem:v33+s13+$0x0], $0xffff  }
0x125: {  	[tilespmem:s7+$0x8000] =	vst v11;
	v18 =	vld [tilespmem:s7+$0x280];
	v11 =	vadd.f32 v25, v37;
	v25 =	vtrunc.f32 v38;
	v36 =	vtrunc.f32 v20  }
0x126: {  	v21 =	vsub.f32 v21, v29;
	v23 =	vadd.f32 v12, v23;
	v13 =	vld.idx.msk [tilespmem:v31+s15+$0x0], $0xffff;
	v29 =	vcvt.f32.s32 v36  }
0x127: {  	v15 =	vcvt.f32.s32 v15;
	v31 =	vld.idx.msk [tilespmem:v31+s13+$0x0], $0xffff;
	[tilespmem:s6+$0x8000] =	vst v11;
	v11 =	vtrunc.f32 v19  }
0x128: {  	v25 =	vcvt.f32.s32 v25;
	v21 =	vmul.f32 v21, v9;
	v12 =	vld.idx.msk [tilespmem:v35+s15+$0x0], $0xffff;
	[tilespmem:s8+$0x8000] =	vst v23;
	v23 =	vadd.s32 $0x7D2, v29  }
0x129: {  	v37 =	vadd.s32 $0x7D2, v15;
	v36 =	vcvt.s32.f32 v15;
	v11 =	vcvt.f32.s32 v11;
	v39 =	vld [tilespmem:s14+$0x180]  }
0x12a: {  	v40 =	vcvt.s32.f32 v25;
	v25 =	vadd.s32 $0x7D2, v25;
	v21 =	vadd.f32 v21, v33;
	v15 =	vld.idx.msk [tilespmem:v30+s15+$0x0], $0xffff  }
0x12b: {  	v33 =	vsub.f32 v17, v36;
	v36 =	vadd.s32 $0x7D2, v11;
	v17 =	vld.idx.msk [tilespmem:v35+s13+$0x0], $0xffff;
	v35 =	vcvt.s32.f32 v11  }
0x12c: {  	v22 =	vmul.f32 $1.000000000e+03, v22;
	v38 =	vsub.f32 v38, v40;
	v28 =	vmul.f32 v28, v13;
	v30 =	vld.idx.msk [tilespmem:v30+s13+$0x0], $0xffff;
	[tilespmem:s14+$0x8080] =	vst v21  }
0x12d: {  	v21 =	vmul.f32 $1.000000000e+03, v24;
	v24 =	vmul.f32 $1.000000000e+03, v27;
	v19 =	vsub.f32 v19, v35;
	v11 =	vld.idx.msk [tilespmem:v23+s15+$0x0], $0xffff  }
0x12e: {  	v27 =	vadd.f32 v28, v31;
	v28 =	vmul.f32 v32, v12;
	v31 =	vld [tilespmem:s6+$0x280];
	v32 =	vmul.f32 $1.000000000e+03, v39  }
0x12f: {  	v29 =	vcvt.s32.f32 v29;
	v35 =	vtrunc.f32 v22;
	v23 =	vld.idx.msk [tilespmem:v23+s13+$0x0], $0xffff  }
0x130: {  	[tilespmem:s7+$0x8080] =	vst v27;
	v27 =	vmul.f32 v16, v15;
	v39 =	vld [tilespmem:s8+$0x280];
	v40 =	vtrunc.f32 v32  }
0x131: {  	v20 =	vsub.f32 v20, v29;
	v17 =	vadd.f32 v28, v17;
	v16 =	vld.idx.msk [tilespmem:v37+s15+$0x0], $0xffff;
	v28 =	vcvt.f32.s32 v40  }
0x132: {  	v29 =	vld.idx.msk [tilespmem:v37+s13+$0x0], $0xffff;
	v37 =	vtrunc.f32 v21;
	v27 =	vadd.f32 v27, v30;
	v30 =	vtrunc.f32 v24  }
0x133: {  	v35 =	vcvt.f32.s32 v35;
	v40 =	vld [tilespmem:s7+$0x300];
	[tilespmem:s6+$0x8080] =	vst v17;
	v17 =	vmul.f32 v20, v11;
	v41 =	vadd.s32 $0xBBB, v28  }
0x134: {  	v37 =	vcvt.f32.s32 v37;
	[tilespmem:s8+$0x8080] =	vst v27;
	v27 =	vcvt.f32.s32 v30;
	v30 =	vld [tilespmem:s14+$0x200]  }
0x135: {  	v42 =	vcvt.s32.f32 v35;
	v35 =	vadd.s32 $0xBBB, v35;
	v20 =	vld.idx.msk [tilespmem:v25+s15+$0x0], $0xffff;
	v23 =	vadd.f32 v17, v23  }
0x136: {  	v43 =	vcvt.s32.f32 v37;
	v37 =	vadd.s32 $0xBBB, v37;
	v17 =	vld.idx.msk [tilespmem:v36+s15+$0x0], $0xffff;
	v44 =	vadd.s32 $0xBBB, v27  }
0x137: {  	v22 =	vsub.f32 v22, v42;
	v33 =	vmul.f32 v33, v16;
	v27 =	vcvt.s32.f32 v27;
	v25 =	vld.idx.msk [tilespmem:v25+s13+$0x0], $0xffff;
	[tilespmem:s14+$0x8100] =	vst v23  }
0x138: {  	v14 =	vmul.f32 $1.000000000e+03, v14;
	v34 =	vmul.f32 $1.000000000e+03, v34;
	v42 =	vsub.f32 v21, v43;
	v21 =	vld.idx.msk [tilespmem:v41+s15+$0x0], $0xffff  }
0x139: {  	v23 =	vadd.f32 v33, v29;
	v24 =	vsub.f32 v24, v27;
	v29 =	vld.idx.msk [tilespmem:v36+s13+$0x0], $0xffff;
	v30 =	vmul.f32 $1.000000000e+03, v30  }
0x13a: {  	v27 =	vmul.f32 $1.000000000e+03, v26;
	v26 =	vcvt.s32.f32 v28;
	v28 =	vld.idx.msk [tilespmem:v41+s13+$0x0], $0xffff  }
0x13b: {  	v33 =	vmul.f32 v38, v20;
	[tilespmem:s7+$0x8100] =	vst v23;
	v36 =	vld [tilespmem:s6+$0x300];
	v38 =	vtrunc.f32 v30  }
0x13c: {  	v26 =	vsub.f32 v32, v26;
	v19 =	vmul.f32 v19, v17;
	v23 =	vld.idx.msk [tilespmem:v35+s15+$0x0], $0xffff;
	v32 =	vcvt.f32.s32 v38  }
0x13d: {  	v38 =	vtrunc.f32 v14;
	v25 =	vadd.f32 v33, v25;
	v33 =	vtrunc.f32 v34;
	v35 =	vld.idx.msk [tilespmem:v35+s13+$0x0], $0xffff  }
0x13e: {  	v41 =	vtrunc.f32 v27;
	v26 =	vmul.f32 v26, v21;
	v43 =	vld [tilespmem:s8+$0x300];
	v45 =	vadd.s32 $0xFA4, v32  }
0x13f: {  	v38 =	vcvt.f32.s32 v38;
	v33 =	vcvt.f32.s32 v33;
	v19 =	vadd.f32 v19, v29;
	[tilespmem:s6+$0x8100] =	vst v25;
	v29 =	vld [tilespmem:s14+$0x280]  }
0x140: {  	v18 =	vmul.f32 $1.000000000e+03, v18;
	v41 =	vcvt.f32.s32 v41;
	v28 =	vadd.f32 v26, v28;
	v25 =	vld.idx.msk [tilespmem:v37+s15+$0x0], $0xffff  }
0x141: {  	v46 =	vcvt.s32.f32 v38;
	v38 =	vadd.s32 $0xFA4, v38;
	v47 =	vadd.s32 $0xFA4, v33;
	v37 =	vld.idx.msk [tilespmem:v37+s13+$0x0], $0xffff;
	[tilespmem:s8+$0x8100] =	vst v19  }
0x142: {  	v19 =	vmul.f32 v22, v23;
	v22 =	vcvt.s32.f32 v33;
	v33 =	vadd.s32 $0xFA4, v41;
	v26 =	vld.idx.msk [tilespmem:v44+s15+$0x0], $0xffff;
	[tilespmem:s14+$0x8180] =	vst v28  }
0x143: {  	v31 =	vmul.f32 $1.000000000e+03, v31;
	v14 =	vsub.f32 v14, v46;
	v41 =	vcvt.s32.f32 v41;
	v28 =	vld.idx.msk [tilespmem:v45+s15+$0x0], $0xffff  }
0x144: {  	v19 =	vadd.f32 v19, v35;
	v22 =	vsub.f32 v34, v22;
	v34 =	vld.idx.msk [tilespmem:v44+s13+$0x0], $0xffff;
	v35 =	vmul.f32 $1.000000000e+03, v29  }
0x145: {  	v39 =	vmul.f32 $1.000000000e+03, v39;
	v41 =	vsub.f32 v27, v41;
	v29 =	vcvt.s32.f32 v32;
	v32 =	vld.idx.msk [tilespmem:v45+s13+$0x0], $0xffff  }
0x146: {  	[tilespmem:s7+$0x8180] =	vst v19;
	v44 =	vld [tilespmem:s7+$0x380];
	v19 =	vmul.f32 v42, v25;
	v42 =	vtrunc.f32 v35  }
0x147: {  	v45 =	vtrunc.f32 v18;
	v29 =	vsub.f32 v30, v29;
	v27 =	vld.idx.msk [tilespmem:v38+s15+$0x0], $0xffff;
	v42 =	vcvt.f32.s32 v42  }
0x148: {  	v30 =	vtrunc.f32 v31;
	v24 =	vmul.f32 v24, v26;
	v38 =	vld.idx.msk [tilespmem:v38+s13+$0x0], $0xffff;
	v19 =	vadd.f32 v19, v37  }
0x149: {  	v46 =	vtrunc.f32 v39;
	v48 =	vmul.f32 v29, v28;
	v37 =	vld [tilespmem:s6+$0x380];
	v49 =	vadd.s32 $0x138D, v42  }
0x14a: {  	v45 =	vcvt.f32.s32 v45;
	v24 =	vadd.f32 v24, v34;
	[tilespmem:s6+$0x8180] =	vst v19;
	v19 =	vcvt.f32.s32 v30;
	v34 =	vld [tilespmem:s14+$0x300]  }
0x14b: {  	v40 =	vmul.f32 $1.000000000e+03, v40;
	v46 =	vcvt.f32.s32 v46;
	v32 =	vadd.f32 v48, v32;
	v29 =	vld.idx.msk [tilespmem:v47+s15+$0x0], $0xffff  }
0x14c: {  	v48 =	vcvt.s32.f32 v45;
	v45 =	vadd.s32 $0x138D, v45;
	v47 =	vld.idx.msk [tilespmem:v47+s13+$0x0], $0xffff;
	v50 =	vadd.s32 $0x138D, v19;
	[tilespmem:s8+$0x8180] =	vst v24  }
0x14d: {  	v14 =	vmul.f32 v14, v27;
	v19 =	vcvt.s32.f32 v19;
	v24 =	vadd.s32 $0x138D, v46;
	v30 =	vld.idx.msk [tilespmem:v33+s15+$0x0], $0xffff;
	[tilespmem:s14+$0x8200] =	vst v32  }
0x14e: {  	v36 =	vmul.f32 $1.000000000e+03, v36;
	v32 =	vsub.f32 v18, v48;
	v18 =	vcvt.s32.f32 v46;
	v46 =	vld.idx.msk [tilespmem:v49+s15+$0x0], $0xffff  }
0x14f: {  	v14 =	vadd.f32 v14, v38;
	v31 =	vsub.f32 v31, v19;
	v19 =	vld.idx.msk [tilespmem:v33+s13+$0x0], $0xffff;
	v33 =	vmul.f32 $1.000000000e+03, v34  }
0x150: {  	v38 =	vmul.f32 $1.000000000e+03, v43;
	v34 =	vsub.f32 v39, v18;
	v18 =	vcvt.s32.f32 v42;
	v39 =	vld.idx.msk [tilespmem:v49+s13+$0x0], $0xffff  }
0x151: {  	v22 =	vmul.f32 v22, v29;
	[tilespmem:s7+$0x8200] =	vst v14;
	v42 =	vld [tilespmem:s8+$0x380];
	v43 =	vtrunc.f32 v33  }
0x152: {  	v48 =	vtrunc.f32 v40;
	v18 =	vsub.f32 v35, v18;
	v14 =	vld.idx.msk [tilespmem:v45+s15+$0x0], $0xffff;
	v35 =	vcvt.f32.s32 v43  }
0x153: {  	v41 =	vmul.f32 v41, v30;
	v43 =	vld.idx.msk [tilespmem:v45+s13+$0x0], $0xffff;
	v45 =	vadd.f32 v22, v47;
	v47 =	vtrunc.f32 v36  }
0x154: {  	v49 =	vtrunc.f32 v38;
	v51 =	vmul.f32 v18, v46;
	v52 =	vadd.s32 $0x1776, v35;
	v22 =	vld.idx.msk [tilespmem:v4+s15+$0x0], $0xffff  }
0x155: {  	v48 =	vcvt.f32.s32 v48;
	v19 =	vadd.f32 v41, v19;
	[tilespmem:s6+$0x8200] =	vst v45;
	v45 =	vcvt.f32.s32 v47;
	v41 =	vld [tilespmem:s14+$0x380]  }
0x156: {  	v10 =	vmul.f32 v13, v10;
	v13 =	vcvt.f32.s32 v49;
	v39 =	vadd.f32 v51, v39;
	v18 =	vld.idx.msk [tilespmem:v50+s15+$0x0], $0xffff  }
0x157: {  	v47 =	vcvt.s32.f32 v48;
	v48 =	vadd.s32 $0x1776, v48;
	v49 =	vld.idx.msk [tilespmem:v50+s13+$0x0], $0xffff;
	v50 =	vadd.s32 $0x1776, v45;
	[tilespmem:s8+$0x8200] =	vst v19  }
0x158: {  	v51 =	vadd.s32 $0x1776, v13;
	v32 =	vmul.f32 v32, v14;
	v45 =	vcvt.s32.f32 v45;
	v19 =	vld.idx.msk [tilespmem:v24+s15+$0x0], $0xffff;
	[tilespmem:s14+$0x8280] =	vst v39  }
0x159: {  	v39 =	vsub.f32 v40, v47;
	v40 =	vmul.f32 v12, v7;
	v7 =	vcvt.s32.f32 v13;
	v47 =	vld.idx.msk [tilespmem:v52+s15+$0x0], $0xffff  }
0x15a: {  	v13 =	vmul.f32 v15, v8;
	v12 =	vadd.f32 v32, v43;
	v32 =	vld.idx.msk [tilespmem:v24+s13+$0x0], $0xffff;
	v41 =	vmul.f32 $1.000000000e+03, v41  }
0x15b: {  	v8 =	vcvt.s32.f32 v35;
	v36 =	vsub.f32 v36, v45;
	v38 =	vsub.f32 v38, v7;
	v35 =	vld.idx.msk [tilespmem:v52+s13+$0x0], $0xffff  }
0x15c: {  	[tilespmem:s7+$0x8280] =	vst v12;
	v12 =	vmul.f32 v31, v18;
	v31 =	vtrunc.f32 v41;
	v7 =	vld.idx.msk [tilespmem:v5+s15+$0x0], $0xffff  }
0x15d: {  	v24 =	vmul.f32 $1.000000000e+03, v44;
	v33 =	vsub.f32 v33, v8;
	v15 =	vld.idx.msk [tilespmem:v48+s15+$0x0], $0xffff;
	v31 =	vcvt.f32.s32 v31  }
0x15e: {  	v8 =	vmul.f32 $1.000000000e+03, v37;
	v34 =	vmul.f32 v34, v19;
	v43 =	vld.idx.msk [tilespmem:v48+s13+$0x0], $0xffff;
	v12 =	vadd.f32 v12, v49  }
0x15f: {  	v37 =	vmul.f32 v9, v6;
	v33 =	vmul.f32 v33, v47;
	v44 =	vadd.s32 $0x1B5F, v31;
	v6 =	vld.idx.msk [tilespmem:v4+s13+$0x0], $0xffff  }
0x160: {  	v4 =	vmul.f32 v16, v10;
	v16 =	vadd.f32 v34, v32;
	[tilespmem:s6+$0x8280] =	vst v12;
	v12 =	vmul.f32 $1.000000000e+03, v42;
	v9 =	vld.idx.msk [tilespmem:v5+s13+$0x0], $0xffff  }
0x161: {  	v5 =	vmul.f32 v20, v40;
	v20 =	vmul.f32 v11, v37;
	v32 =	vadd.f32 v33, v35;
	v10 =	vld.idx.msk [tilespmem:v50+s15+$0x0], $0xffff  }
0x162: {  	v17 =	vmul.f32 v17, v13;
	v33 =	vtrunc.f32 v24;
	v34 =	vld.idx.msk [tilespmem:v50+s13+$0x0], $0xffff;
	[tilespmem:s8+$0x8280] =	vst v16  }
0x163: {  	v13 =	vmul.f32 v39, v15;
	v16 =	vmul.f32 v21, v20;
	v11 =	vld.idx.msk [tilespmem:v51+s15+$0x0], $0xffff;
	[tilespmem:s14+$0x8300] =	vst v32  }
0x164: {  	v20 =	vtrunc.f32 v8;
	v21 =	vtrunc.f32 v12;
	v32 =	vld.idx.msk [tilespmem:v44+s15+$0x0], $0xffff  }
0x165: {  	v4 =	vmul.f32 v23, v4;
	v13 =	vadd.f32 v13, v43;
	v16 =	vmul.f32 v28, v16;
	v23 =	vld.idx.msk [tilespmem:v51+s13+$0x0], $0xffff  }
0x166: {  	v25 =	vmul.f32 v25, v5;
	v5 =	vcvt.s32.f32 v31;
	v28 =	vld.idx.msk [tilespmem:v44+s13+$0x0], $0xffff  }
0x167: {  	v31 =	vmul.f32 v36, v10;
	v16 =	vmul.f32 v46, v16;
	[tilespmem:s7+$0x8300] =	vst v13  }
0x168: {  	v5 =	vsub.f32 v41, v5;
	v13 =	vcvt.f32.s32 v33;
	v33 =	vmul.f32 v26, v17  }
.Ltmp2:
0x169: {  	v26 =	vadd.f32 v31, v34;
	v31 =	vmul.f32 v38, v11;
	v34 =	vmul.f32 v47, v16;
	(pc) =	sbr.rel @p1 .LBB2_3-.Ltmp2, $4  }
0x16a: {  	v17 =	vcvt.f32.s32 v20;
	v16 =	vadd.s32 $0x1B5F, v13;
	v35 =	vmul.f32 v5, v32  }
0x16b: {  	s1 =	sshll.u32 s18, $0x4;
	v20 =	vcvt.f32.s32 v21;
	v31 =	vadd.f32 v31, v23;
	v21 =	vmul.f32 v32, v34;
	[tilespmem:s6+$0x8300] =	vst v26  }
0x16c: {  	s1 =	sand.u32 $0x3FFFFF80, s1;
	v5 =	vmul.f32 v27, v4;
	v26 =	vmul.f32 v29, v25;
	v23 =	vadd.f32 v35, v28  }
0x16d: {  	s19 =	sadd.s32 $0x10000, s1;
	v4 =	vadd.s32 $0x1B5F, v17;
	v25 =	vmul.f32 v30, v33;
	v21 =	vmul.f32 $1.000000010e+24, v21;
	[tilespmem:s8+$0x8300] =	vst v31  }
0x16e: {  	_ =	sdelay $0x2  }
0x16f: {  	v5 =	vmul.f32 v14, v5  }
0x170: {  	v51 =	vadd.s32 $0x1B5F, v20;
	v27 =	vld.idx.msk [tilespmem:v16+s15+$0x0], $0xffff;
	v18 =	vmul.f32 v18, v26;
	v13 =	vcvt.s32.f32 v13  }
0x171: {  	v52 =	vld.idx.msk [tilespmem:v16+s13+$0x0], $0xffff;
	v17 =	vcvt.s32.f32 v17;
	v53 =	vcvt.s32.f32 v20  }
0x172: {  	v3 =	vmul.f32 v3, v22;
	v1 =	vmul.f32 v22, v1;
	v54 =	vld.idx.msk [tilespmem:v4+s15+$0x0], $0xffff  }
0x173: {  	[tilespmem:s14+$0x8380] =	vst v23;
	s1 =	sor.u32 s26, s19;
	v56 =	vld.idx.msk [tilespmem:v4+s13+$0x0], $0xffff;
	v2 =	vmul.f32 v2, v7;
	v0 =	vmul.f32 v7, v0  }
0x174: {  	[tilespmem:s1+$0x0] =	vst v21;
	v13 =	vsub.f32 v24, v13;
	v5 =	vmul.f32 v15, v5;
	v3 =	vadd.f32 v3, v6  }
0x175: {  	v10 =	vmul.f32 v10, v18;
	v8 =	vsub.f32 v8, v17;
	v2 =	vadd.f32 v2, v9;
	v55 =	vld.idx.msk [tilespmem:v51+s15+$0x0], $0xffff  }
0x176: {  	v1 =	vmul.f32 $1.000000010e+24, v1;
	[tilespmem:s0+$0x8380] =	vst v3;
	v13 =	vmul.f32 v13, v27  }
0x177: {  	v0 =	vmul.f32 $1.000000010e+24, v0;
	[tilespmem:s31+$0x8380] =	vst v2;
	v58 =	vld.idx.msk [tilespmem:v51+s13+$0x0], $0xffff;
	v60 =	vmul.f32 v8, v54  }
0x178: {  	v59 =	vsub.f32 v12, v53;
	v5 =	vmul.f32 v27, v5;
	[tilespmem:s16+$0x0] =	vst v1;
	v13 =	vadd.f32 v13, v52  }
0x179: {  	v19 =	vmul.f32 v19, v25;
	v61 =	vmul.f32 v54, v10;
	[tilespmem:s10+$0x0] =	vst v0;
	v4 =	vadd.f32 v60, v56  }
0x17a: {  	v57 =	vmul.f32 $1.000000010e+24, v5;
	[tilespmem:s7+$0x8380] =	vst v13;
	v62 =	vmul.f32 v59, v55  }
0x17b: {  	v11 =	vmul.f32 v11, v19;
	s16 =	sor.u32 s2, s19;
	v3 =	vmul.f32 $1.000000010e+24, v61;
	[tilespmem:s6+$0x8380] =	vst v4  }
0x17c: {  	s18 =	sor.u32 s9, s19;
	[tilespmem:s16+$0x0] =	vst v57;
	v1 =	vadd.f32 v62, v58  }
0x17d: {  	v63 =	vmul.f32 v55, v11;
	[tilespmem:s18+$0x0] =	vst v3  }
0x17e: {  	[tilespmem:s8+$0x8380] =	vst v1  }
0x17f: {  	s24 =	simm.s32 $0x8000;
	p1 =	sne.s32 s29, $0x7;
	v0 =	vmul.f32 $1.000000010e+24, v63;
	s1 =	rddreg [dreg:$0x5]  }
.Ltmp3:
0x180: {  	s19 =	sor.u32 s12, s19;
	s31 =	sor.u32 s1, s30;
	(pc) =	sbr.rel @p1 .LBB2_6-.Ltmp3, $4  }
0x181: {  	s26 =	rddreg [dreg:$0x3];
	[tilespmem:s19+$0x0] =	vst v0;
	s23 =	sadd.s32 s21, s31;
	s25 =	sshrl.u32 s31, $0x3  }
0x182: {  	[hbm4b:s23+s4] =	stream.linear.scatter [tilespmem:s24], [sflag:$0x3], $0x4000, $0x38;
	[tilespmem:$0x14E90] =	vst v63  }
0x183: {  	s28 =	simm.s32 $0x10000;
	s0 =	sadd.s32 s26, s25  }
0x184: {  	[hbm4b:s0+s4] =	stream.linear.scatter [tilespmem:s28], [sflag:$0x5], $0x800, $0x38;
	[tilespmem:$0x14E90] =	vst v63  }
.Ltmp4:
0x185: {  	(pc) =	sbr.rel .LBB2_7-.Ltmp4, $4  }
0x186: {  	_ = 	snop  }
0x187: {  	_ =	swait.ge [sflag:s20], $0x4000  }
0x188: {  	[sflag:s20] =	ssyncset.done $0x0  }
0x189: {  	[sflag:s20] =	ssyncadd.s32 $0xFFFFC000  }
.LBB2_6:
0x18a: {  	s0 =	rddreg [dreg:$0xa]  }
.Ltmp5:
0x18b: {  	s0 =	sadd.s32 s30, s0;
	(pc) =	sbr.rel @p0 .LBB2_8-.Ltmp5, $4  }
0x18c: {  	[tilespmem:s4], [sflag:$0x1] =	stream.linear.gather [hbm4b:s0+s4], $0x4000, $0x38;
	[tilespmem:$0x14E90] =	vst v63  }
0x18d: {  	_ =	swait.ge [sflag:s20], $0x4000  }
0x18e: {  	[sflag:s20] =	ssyncset.done $0x0  }
0x18f: {  	[sflag:s20] =	ssyncadd.s32 $0xFFFFC000  }
.LBB2_7:
0x190: {  	s0 =	simm.s32 $0x4  }
0x191: {  	_ =	swait.ge [sflag:s0], $0x4000  }
0x192: {  	[sflag:s0] =	ssyncset.done $0x0  }
0x193: {  	[sflag:s0] =	ssyncadd.s32 $0xFFFFC000  }
0x194: {  	_ =	swait.ge [sflag:s22], $0x800  }
0x195: {  	[sflag:s22] =	ssyncset.done $0x0  }
0x196: {  	[sflag:s22] =	ssyncadd.s32 $0xFFFFF800  }
.LBB2_8:
0x197: {  	s0 =	simm.s32 $0x0;
	s1 =	simm.s32 $0x0  }
0x198: {  	s18 =	sand.u32 $0x40, s0;
	s12 =	sand.u32 $0xFFFFFC00, s1  }
0x199: {  	s19 =	sor.u32 s18, s12  }
0x19a: {  	v1 =	vld [tilespmem:s19+$0x4000]  }
0x19b: {  	v4 =	vld [tilespmem:s19+$0x4080]  }
0x19c: {  	s23 =	sor.u32 $0x30, s18;
	v8 =	vld [tilespmem:s19+$0x4100]  }
0x19d: {  	s10 =	sor.u32 $0x10, s18;
	s24 =	sor.u32 s12, s23;
	v15 =	vld [tilespmem:s19+$0x4180]  }
0x19e: {  	s16 =	sor.u32 $0x20, s18;
	s2 =	sor.u32 s12, s10;
	v0 =	vld [tilespmem:s24+$0x4000]  }
0x19f: {  	s0 =	sor.u32 s12, s16;
	v2 =	vld [tilespmem:s2+$0x4000]  }
0x1a0: {  	v3 =	vld [tilespmem:s0+$0x4000]  }
0x1a1: {  	v5 =	vld [tilespmem:s2+$0x4080]  }
0x1a2: {  	v7 =	vld [tilespmem:s0+$0x4080]  }
0x1a3: {  	v10 =	vld [tilespmem:s2+$0x4100]  }
0x1a4: {  	v13 =	vld [tilespmem:s0+$0x4100]  }
0x1a5: {  	v17 =	vld [tilespmem:s2+$0x4180]  }
0x1a6: {  	v19 =	vld [tilespmem:s0+$0x4180];
	v9 =	vmul.f32 $1.000000000e+03, v1;
	v21 =	vmul.f32 $1.000000000e+03, v4  }
0x1a7: {  	v31 =	vld [tilespmem:s2+$0x4200];
	v33 =	vmul.f32 $1.000000000e+03, v8;
	v15 =	vmul.f32 $1.000000000e+03, v15  }
0x1a8: {  	v37 =	vld [tilespmem:s24+$0x4200];
	v6 =	vmul.f32 $1.000000000e+03, v0;
	v11 =	vmul.f32 $1.000000000e+03, v2  }
0x1a9: {  	v3 =	vmul.f32 $1.000000000e+03, v3;
	v5 =	vmul.f32 $1.000000000e+03, v5  }
0x1aa: {  	v27 =	vmul.f32 $1.000000000e+03, v7;
	v10 =	vmul.f32 $1.000000000e+03, v10  }
0x1ab: {  	v13 =	vmul.f32 $1.000000000e+03, v13;
	v17 =	vmul.f32 $1.000000000e+03, v17  }
0x1ac: {  	s26 =	simm.s32 $0x40;
	v19 =	vmul.f32 $1.000000000e+03, v19;
	v31 =	vmul.f32 $1.000000000e+03, v31  }
0x1ad: {  	s14 =	simm.s32 $0x200;
	s6 =	sand.u32 $0x40, s26;
	v61 =	vmul.f32 $1.000000000e+03, v37;
	v54 =	vtrunc.f32 v15  }
0x1ae: {  	s1 =	sand.u32 $0xFFFFFC00, s14;
	s12 =	sor.u32 $0x10, s6;
	v0 =	vtrunc.f32 v6;
	v12 =	vtrunc.f32 v11  }
0x1af: {  	s8 =	sor.u32 s1, s12;
	v2 =	vld [tilespmem:s24+$0x4080];
	v28 =	vtrunc.f32 v27;
	v56 =	vtrunc.f32 v19  }
0x1b0: {  	v37 =	vld [tilespmem:s8+$0x4180];
	v62 =	vtrunc.f32 v61;
	v1 =	vcvt.f32.s32 v0  }
0x1b1: {  	v0 =	vtrunc.f32 v9;
	v16 =	vcvt.f32.s32 v12  }
0x1b2: {  	v14 =	vcvt.f32.s32 v0;
	v0 =	vtrunc.f32 v3  }
0x1b3: {  	v53 =	vld [tilespmem:s2+$0x4280];
	v44 =	vtrunc.f32 v31;
	v18 =	vcvt.f32.s32 v0  }
0x1b4: {  	v40 =	vld [tilespmem:s24+$0x4280];
	v22 =	vcvt.s32.f32 v16;
	v23 =	vmul.f32 $1.000000000e+03, v2  }
0x1b5: {  	v12 =	vld [tilespmem:s19+$0x4200];
	v2 =	vcvt.s32.f32 v1;
	v37 =	vmul.f32 $1.000000000e+03, v37  }
0x1b6: {  	v20 =	vcvt.s32.f32 v14;
	v26 =	vtrunc.f32 v23;
	v0 =	vld.idx.msk [tilespmem:v1+s15+$0x0], $0xffff  }
0x1b7: {  	v24 =	vcvt.s32.f32 v18;
	v11 =	vsub.f32 v11, v22;
	v7 =	vcvt.f32.s32 v26;
	v25 =	vld.idx.msk [tilespmem:v1+s13+$0x0], $0xffff  }
0x1b8: {  	v9 =	vsub.f32 v9, v20;
	v20 =	vtrunc.f32 v21;
	v26 =	vtrunc.f32 v5;
	v4 =	vld.idx.msk [tilespmem:v14+s15+$0x0], $0xffff  }
0x1b9: {  	v1 =	vld.idx.msk [tilespmem:v16+s15+$0x0], $0xffff;
	v22 =	vcvt.f32.s32 v26;
	v24 =	vsub.f32 v3, v24;
	v3 =	vcvt.f32.s32 v28  }
0x1ba: {  	v6 =	vsub.f32 v6, v2;
	v60 =	vmul.f32 $1.000000000e+03, v12;
	v20 =	vcvt.f32.s32 v20;
	v26 =	vld [tilespmem:s24+$0x4100]  }
0x1bb: {  	v14 =	vld.idx.msk [tilespmem:v14+s13+$0x0], $0xffff;
	v29 =	vadd.s32 $0x3E9, v7;
	v50 =	vcvt.s32.f32 v22;
	v30 =	vcvt.s32.f32 v3  }
0x1bc: {  	v2 =	vld.idx.msk [tilespmem:v18+s15+$0x0], $0xffff;
	v22 =	vadd.s32 $0x3E9, v22;
	v32 =	vadd.s32 $0x3E9, v3;
	v6 =	vmul.f32 v6, v0  }
0x1bd: {  	v16 =	vld.idx.msk [tilespmem:v16+s13+$0x0], $0xffff;
	v27 =	vsub.f32 v27, v30;
	v30 =	vcvt.f32.s32 v54;
	v9 =	vmul.f32 v9, v4  }
0x1be: {  	v18 =	vld.idx.msk [tilespmem:v18+s13+$0x0], $0xffff;
	v6 =	vadd.f32 v6, v25;
	v25 =	vcvt.s32.f32 v20;
	v20 =	vadd.s32 $0x3E9, v20  }
0x1bf: {  	v63 =	vld [tilespmem:s2+$0x4300];
	v28 =	vsub.f32 v5, v50;
	v50 =	vmul.f32 $1.000000000e+03, v40;
	v58 =	vcvt.s32.f32 v30  }
0x1c0: {  	v41 =	vld [tilespmem:s0+$0x4300];
	v8 =	vadd.f32 v9, v14;
	[tilespmem:s24+$0xC000] =	vst v6;
	v6 =	vmul.f32 v11, v1;
	v11 =	vmul.f32 $1.000000000e+03, v26  }
0x1c1: {  	v54 =	vtrunc.f32 v50;
	v9 =	vsub.f32 v21, v25;
	v21 =	vmul.f32 v24, v2;
	v3 =	vld.idx.msk [tilespmem:v29+s15+$0x0], $0xffff  }
0x1c2: {  	v24 =	vcvt.s32.f32 v7;
	v25 =	vld.idx.msk [tilespmem:v29+s13+$0x0], $0xffff;
	[tilespmem:s19+$0xC000] =	vst v8;
	v6 =	vadd.f32 v6, v16;
	v8 =	vtrunc.f32 v11  }
0x1c3: {  	v16 =	vtrunc.f32 v33;
	v18 =	vadd.f32 v21, v18;
	v21 =	vtrunc.f32 v13;
	v7 =	vld.idx.msk [tilespmem:v20+s15+$0x0], $0xffff  }
0x1c4: {  	v23 =	vsub.f32 v23, v24;
	v24 =	vcvt.f32.s32 v8;
	v20 =	vld.idx.msk [tilespmem:v20+s13+$0x0], $0xffff;
	v16 =	vcvt.f32.s32 v16;
	[tilespmem:s2+$0xC000] =	vst v6  }
0x1c5: {  	v8 =	vtrunc.f32 v10;
	[tilespmem:s0+$0xC000] =	vst v18;
	v18 =	vcvt.f32.s32 v21;
	v21 =	vld [tilespmem:s24+$0x4180]  }
0x1c6: {  	v5 =	vcvt.f32.s32 v8;
	v6 =	vld.idx.msk [tilespmem:v22+s15+$0x0], $0xffff;
	v51 =	vadd.s32 $0x7D2, v24;
	v52 =	vcvt.s32.f32 v16  }
0x1c7: {  	v8 =	vld.idx.msk [tilespmem:v32+s15+$0x0], $0xffff;
	v16 =	vadd.s32 $0x7D2, v16;
	v24 =	vcvt.s32.f32 v24;
	v23 =	vmul.f32 v23, v3  }
0x1c8: {  	v14 =	vld [tilespmem:s0+$0x4200];
	v34 =	vcvt.s32.f32 v18;
	v35 =	vadd.s32 $0x7D2, v5;
	v0 =	vmul.f32 v3, v0  }
0x1c9: {  	v22 =	vld.idx.msk [tilespmem:v22+s13+$0x0], $0xffff;
	v11 =	vsub.f32 v11, v24;
	v24 =	vtrunc.f32 v17;
	v9 =	vmul.f32 v9, v7  }
0x1ca: {  	v32 =	vld.idx.msk [tilespmem:v32+s13+$0x0], $0xffff;
	v23 =	vadd.f32 v23, v25;
	v25 =	vcvt.s32.f32 v5;
	v13 =	vsub.f32 v13, v34  }
0x1cb: {  	v34 =	vld [tilespmem:s19+$0x4300];
	v4 =	vmul.f32 v7, v4;
	v21 =	vmul.f32 $1.000000000e+03, v21;
	v9 =	vadd.f32 v9, v20  }
0x1cc: {  	v26 =	vld [tilespmem:s19+$0x4280];
	[tilespmem:s24+$0xC080] =	vst v23;
	v20 =	vmul.f32 v28, v6;
	v25 =	vsub.f32 v10, v25;
	v10 =	vmul.f32 v27, v8  }
0x1cd: {  	v23 =	vsub.f32 v33, v52;
	v33 =	vcvt.f32.s32 v44;
	v1 =	vmul.f32 v6, v1;
	v5 =	vld.idx.msk [tilespmem:v51+s15+$0x0], $0xffff  }
0x1ce: {  	v18 =	vadd.s32 $0x7D2, v18;
	v27 =	vld [tilespmem:s0+$0x4280];
	v2 =	vmul.f32 v8, v2;
	v55 =	vtrunc.f32 v21  }
0x1cf: {  	v29 =	vld.idx.msk [tilespmem:v51+s13+$0x0], $0xffff;
	[tilespmem:s19+$0xC080] =	vst v9;
	v20 =	vadd.f32 v20, v22;
	v22 =	vcvt.f32.s32 v55;
	v10 =	vadd.f32 v10, v32  }
0x1d0: {  	v47 =	vadd.s32 $0xFA4, v33;
	v33 =	vcvt.s32.f32 v33;
	v9 =	vld.idx.msk [tilespmem:v16+s15+$0x0], $0xffff;
	v34 =	vmul.f32 $1.000000000e+03, v34  }
0x1d1: {  	v16 =	vld.idx.msk [tilespmem:v16+s13+$0x0], $0xffff;
	v36 =	vadd.s32 $0xBBB, v22;
	[tilespmem:s2+$0xC080] =	vst v20;
	v20 =	vcvt.f32.s32 v24;
	v24 =	vcvt.f32.s32 v56  }
0x1d2: {  	v51 =	vsub.f32 v31, v33;
	v56 =	vcvt.f32.s32 v54;
	v33 =	vld [tilespmem:s2+$0x4380];
	v57 =	vmul.f32 v11, v5  }
0x1d3: {  	v30 =	vadd.s32 $0xBBB, v30;
	[tilespmem:s0+$0xC080] =	vst v10;
	v27 =	vmul.f32 $1.000000000e+03, v27;
	v11 =	vld.idx.msk [tilespmem:v35+s15+$0x0], $0xffff;
	v59 =	vcvt.s32.f32 v20  }
0x1d4: {  	v10 =	vld.idx.msk [tilespmem:v18+s15+$0x0], $0xffff;
	v38 =	vadd.s32 $0xBBB, v24;
	v24 =	vcvt.s32.f32 v24;
	v29 =	vadd.f32 v57, v29  }
0x1d5: {  	v20 =	vadd.s32 $0xBBB, v20;
	v35 =	vld.idx.msk [tilespmem:v35+s13+$0x0], $0xffff;
	v0 =	vmul.f32 v5, v0;
	v23 =	vmul.f32 v23, v9  }
0x1d6: {  	v18 =	vld.idx.msk [tilespmem:v18+s13+$0x0], $0xffff;
	v19 =	vsub.f32 v19, v24;
	v24 =	vtrunc.f32 v60;
	v57 =	vtrunc.f32 v27;
	[tilespmem:s24+$0xC100] =	vst v29  }
0x1d7: {  	v16 =	vadd.f32 v23, v16;
	v23 =	vmul.f32 $1.000000000e+03, v14;
	v14 =	vcvt.s32.f32 v22;
	v12 =	vld.idx.msk [tilespmem:v36+s15+$0x0], $0xffff  }
0x1d8: {  	v17 =	vsub.f32 v17, v59;
	v59 =	vld [tilespmem:s24+$0x4300];
	v4 =	vmul.f32 v9, v4;
	v25 =	vmul.f32 v25, v11  }
0x1d9: {  	v24 =	vcvt.f32.s32 v24;
	v22 =	vld.idx.msk [tilespmem:v36+s13+$0x0], $0xffff;
	[tilespmem:s19+$0xC100] =	vst v16;
	v16 =	vmul.f32 v13, v10;
	v14 =	vsub.f32 v21, v14  }
0x1da: {  	v21 =	vcvt.f32.s32 v62;
	v45 =	vtrunc.f32 v23;
	v13 =	vld.idx.msk [tilespmem:v30+s15+$0x0], $0xffff;
	v25 =	vadd.f32 v25, v35  }
0x1db: {  	s25 =	sor.u32 s6, s1;
	v2 =	vmul.f32 v10, v2;
	v30 =	vld.idx.msk [tilespmem:v30+s13+$0x0], $0xffff;
	v16 =	vadd.f32 v16, v18;
	v18 =	vcvt.f32.s32 v45  }
0x1dc: {  	v39 =	vadd.s32 $0xFA4, v21;
	v45 =	vmul.f32 $1.000000000e+03, v41;
	v41 =	vld [tilespmem:s25+$0x4280];
	[tilespmem:s2+$0xC100] =	vst v25;
	v46 =	vmul.f32 v14, v12  }
0x1dd: {  	v15 =	vsub.f32 v15, v58;
	v1 =	vmul.f32 v11, v1;
	v21 =	vcvt.s32.f32 v21;
	v14 =	vld.idx.msk [tilespmem:v20+s15+$0x0], $0xffff  }
0x1de: {  	v25 =	vmul.f32 $1.000000000e+03, v26;
	v26 =	vcvt.s32.f32 v24;
	v20 =	vld.idx.msk [tilespmem:v20+s13+$0x0], $0xffff;
	[tilespmem:s0+$0xC100] =	vst v16;
	v22 =	vadd.f32 v46, v22  }
0x1df: {  	v24 =	vadd.s32 $0xFA4, v24;
	v49 =	vcvt.s32.f32 v18;
	v16 =	vmul.f32 v15, v13;
	v15 =	vld.idx.msk [tilespmem:v38+s15+$0x0], $0xffff  }
0x1e0: {  	v48 =	vadd.s32 $0xFA4, v18;
	v0 =	vmul.f32 v12, v0;
	v52 =	vld.idx.msk [tilespmem:v38+s13+$0x0], $0xffff;
	v55 =	vtrunc.f32 v25;
	[tilespmem:s24+$0xC180] =	vst v22  }
0x1e1: {  	v22 =	vsub.f32 v60, v26;
	v26 =	vmul.f32 $1.000000000e+03, v53;
	v16 =	vadd.f32 v16, v30;
	v18 =	vld.idx.msk [tilespmem:v39+s15+$0x0], $0xffff  }
0x1e2: {  	v53 =	vld.idx.msk [tilespmem:v39+s13+$0x0], $0xffff;
	v17 =	vmul.f32 v17, v14;
	v39 =	vcvt.f32.s32 v57  }
0x1e3: {  	v21 =	vsub.f32 v61, v21;
	v38 =	vcvt.f32.s32 v55;
	v4 =	vmul.f32 v13, v4;
	v60 =	vld [tilespmem:s19+$0x4380];
	[tilespmem:s19+$0xC180] =	vst v16  }
0x1e4: {  	v16 =	vld.idx.msk [tilespmem:v24+s15+$0x0], $0xffff;
	v17 =	vadd.f32 v17, v20;
	v19 =	vmul.f32 v19, v15;
	v61 =	vcvt.s32.f32 v39  }
0x1e5: {  	v41 =	vmul.f32 $1.000000000e+03, v41;
	v24 =	vld.idx.msk [tilespmem:v24+s13+$0x0], $0xffff;
	v20 =	vtrunc.f32 v26  }
0x1e6: {  	v20 =	vcvt.f32.s32 v20;
	[tilespmem:s2+$0xC180] =	vst v17;
	v19 =	vadd.f32 v19, v52;
	v27 =	vsub.f32 v27, v61;
	v61 =	vld [tilespmem:s8+$0x4100]  }
0x1e7: {  	v58 =	vadd.s32 $0x138D, v56;
	v42 =	vcvt.s32.f32 v38;
	v1 =	vmul.f32 v14, v1;
	v17 =	vld.idx.msk [tilespmem:v47+s15+$0x0], $0xffff  }
0x1e8: {  	v21 =	vmul.f32 v21, v18;
	v43 =	vadd.s32 $0x138D, v20;
	v35 =	vld.idx.msk [tilespmem:v47+s13+$0x0], $0xffff;
	v20 =	vcvt.s32.f32 v20;
	[tilespmem:s0+$0xC180] =	vst v19  }
0x1e9: {  	v2 =	vmul.f32 v15, v2;
	v28 =	vmul.f32 $1.000000000e+03, v60;
	v44 =	vld.idx.msk [tilespmem:v48+s15+$0x0], $0xffff  }
0x1ea: {  	s7 =	sor.u32 $0x20, s6;
	v47 =	vtrunc.f32 v34;
	v21 =	vadd.f32 v21, v53;
	v20 =	vsub.f32 v26, v20;
	v26 =	vld.idx.msk [tilespmem:v48+s13+$0x0], $0xffff  }
0x1eb: {  	s9 =	sor.u32 s1, s7;
	v38 =	vadd.s32 $0x138D, v38;
	v0 =	vmul.f32 v18, v0;
	v40 =	vcvt.f32.s32 v47;
	v53 =	vld [tilespmem:s24+$0x4380]  }
0x1ec: {  	v5 =	vtrunc.f32 v28;
	v19 =	vmul.f32 v22, v16;
	v22 =	vadd.s32 $0x138D, v39;
	v39 =	vld [tilespmem:s9+$0x4180];
	[tilespmem:s24+$0xC200] =	vst v21  }
0x1ed: {  	v12 =	vcvt.f32.s32 v5;
	v21 =	vsub.f32 v25, v42;
	v25 =	vmul.f32 $1.000000000e+03, v63;
	v62 =	vld.idx.msk [tilespmem:v58+s15+$0x0], $0xffff  }
0x1ee: {  	v19 =	vadd.f32 v19, v24;
	v24 =	vmul.f32 $1.000000000e+03, v59;
	v63 =	vcvt.s32.f32 v56;
	v46 =	vld.idx.msk [tilespmem:v58+s13+$0x0], $0xffff  }
0x1ef: {  	v23 =	vsub.f32 v23, v49;
	v30 =	vmul.f32 v51, v17;
	v1 =	vmul.f32 v17, v1;
	v17 =	vld [tilespmem:s25+$0x4000]  }
0x1f0: {  	v54 =	vcvt.s32.f32 v40;
	v51 =	vtrunc.f32 v45;
	[tilespmem:s19+$0xC200] =	vst v19;
	v29 =	vsub.f32 v50, v63;
	v63 =	vld [tilespmem:s9+$0x4100]  }
0x1f1: {  	v19 =	vtrunc.f32 v24;
	v49 =	vtrunc.f32 v25;
	v48 =	vld.idx.msk [tilespmem:v38+s15+$0x0], $0xffff  }
0x1f2: {  	v19 =	vcvt.f32.s32 v19;
	v30 =	vadd.f32 v30, v35;
	v50 =	vld.idx.msk [tilespmem:v38+s13+$0x0], $0xffff;
	v23 =	vmul.f32 v23, v44  }
0x1f3: {  	v38 =	vcvt.f32.s32 v51;
	v2 =	vmul.f32 v44, v2;
	v44 =	vld [tilespmem:s8+$0x4200]  }
0x1f4: {  	v52 =	vadd.s32 $0x1776, v19;
	[tilespmem:s2+$0xC200] =	vst v30;
	v23 =	vadd.f32 v23, v26;
	v26 =	vld [tilespmem:s0+$0x4380];
	v29 =	vmul.f32 v29, v62  }
0x1f5: {  	v35 =	vcvt.f32.s32 v49;
	v8 =	vmul.f32 $1.000000000e+03, v53;
	v7 =	vld.idx.msk [tilespmem:v43+s15+$0x0], $0xffff  }
0x1f6: {  	v39 =	vmul.f32 $1.000000000e+03, v39;
	v6 =	vcvt.s32.f32 v38;
	v55 =	vld.idx.msk [tilespmem:v43+s13+$0x0], $0xffff;
	[tilespmem:s0+$0xC200] =	vst v23;
	v29 =	vadd.f32 v29, v46  }
0x1f7: {  	v40 =	vadd.s32 $0x1776, v40;
	v19 =	vcvt.s32.f32 v19;
	v21 =	vmul.f32 v21, v48;
	v56 =	vld.idx.msk [tilespmem:v22+s15+$0x0], $0xffff  }
0x1f8: {  	v5 =	vadd.s32 $0x1B5F, v12;
	v30 =	vmul.f32 $1.000000000e+03, v61;
	v0 =	vmul.f32 v62, v0;
	v22 =	vld.idx.msk [tilespmem:v22+s13+$0x0], $0xffff;
	[tilespmem:s24+$0xC280] =	vst v29  }
0x1f9: {  	v17 =	vmul.f32 $1.000000000e+03, v17;
	v23 =	vcvt.s32.f32 v35;
	v21 =	vadd.f32 v21, v50;
	v29 =	vld.idx.msk [tilespmem:v52+s15+$0x0], $0xffff  }
0x1fa: {  	v35 =	vadd.s32 $0x1776, v35;
	v20 =	vmul.f32 v20, v7;
	v58 =	vld.idx.msk [tilespmem:v52+s13+$0x0], $0xffff;
	v1 =	vmul.f32 v7, v1  }
0x1fb: {  	v57 =	vadd.s32 $0x1776, v38;
	v7 =	vcvt.s32.f32 v12;
	v12 =	vld [tilespmem:s9+$0x4000];
	[tilespmem:s19+$0xC280] =	vst v21;
	v21 =	vtrunc.f32 v8  }
0x1fc: {  	s14 =	sor.u32 $0x30, s6;
	v19 =	vsub.f32 v24, v19;
	v59 =	vld.idx.msk [tilespmem:v40+s15+$0x0], $0xffff;
	v21 =	vcvt.f32.s32 v21;
	v20 =	vadd.f32 v20, v55  }
0x1fd: {  	s28 =	sor.u32 s1, s14;
	v24 =	vmul.f32 $1.000000000e+03, v33;
	v6 =	vsub.f32 v45, v6;
	v27 =	vmul.f32 v27, v56;
	v9 =	vld.idx.msk [tilespmem:v40+s13+$0x0], $0xffff  }
0x1fe: {  	v2 =	vmul.f32 v56, v2;
	v56 =	vld [tilespmem:s28+$0x4100];
	[tilespmem:s2+$0xC280] =	vst v20;
	v3 =	vmul.f32 v19, v29;
	v19 =	vadd.s32 $0x1B5F, v21  }
0x1ff: {  	v32 =	vmul.f32 $1.000000000e+03, v63;
	v45 =	vtrunc.f32 v30;
	v20 =	vadd.f32 v27, v22;
	v11 =	vld.idx.msk [tilespmem:v35+s15+$0x0], $0xffff  }
0x200: {  	v45 =	vcvt.f32.s32 v45;
	v44 =	vmul.f32 $1.000000000e+03, v44;
	v14 =	vld.idx.msk [tilespmem:v35+s13+$0x0], $0xffff;
	v3 =	vadd.f32 v3, v58  }
0x201: {  	v34 =	vsub.f32 v34, v54;
	v22 =	vmul.f32 $1.000000000e+03, v26;
	v13 =	vcvt.s32.f32 v21;
	v35 =	vld [tilespmem:s25+$0x4180];
	[tilespmem:s0+$0xC280] =	vst v20  }
0x202: {  	v0 =	vmul.f32 v29, v0;
	v46 =	vmul.f32 $1.000000000e+03, v12;
	v20 =	vld.idx.msk [tilespmem:v57+s15+$0x0], $0xffff;
	[tilespmem:s24+$0xC300] =	vst v3  }
0x203: {  	v23 =	vsub.f32 v25, v23;
	v10 =	vmul.f32 v34, v59;
	v42 =	vmul.f32 $1.000000000e+03, v56;
	v26 =	vld.idx.msk [tilespmem:v19+s15+$0x0], $0xffff  }
0x204: {  	v25 =	vtrunc.f32 v22;
	v3 =	vtrunc.f32 v24  }
0x205: {  	v9 =	vadd.f32 v10, v9;
	v61 =	vtrunc.f32 v42;
	v10 =	vmul.f32 v23, v11  }
0x206: {  	v13 =	vsub.f32 v8, v13;
	v8 =	vcvt.f32.s32 v3;
	v1 =	vmul.f32 v11, v1  }
0x207: {  	v18 =	vld.idx.msk [tilespmem:v57+s13+$0x0], $0xffff;
	v11 =	vtrunc.f32 v17;
	v35 =	vmul.f32 $1.000000000e+03, v35  }
0x208: {  	v34 =	vld [tilespmem:s9+$0x4200];
	v15 =	vmul.f32 v6, v20;
	v3 =	vmul.f32 v13, v26  }
0x209: {  	[tilespmem:s19+$0xC300] =	vst v9;
	v0 =	vmul.f32 v26, v0;
	v13 =	vmul.f32 v16, v4;
	v16 =	vld [tilespmem:s28+$0x4000]  }
0x20a: {  	v6 =	vcvt.f32.s32 v25;
	v9 =	vld.idx.msk [tilespmem:v5+s15+$0x0], $0xffff;
	v21 =	vcvt.s32.f32 v8  }
0x20b: {  	v56 =	vtrunc.f32 v35;
	v26 =	vld [tilespmem:s8+$0x4080];
	v4 =	vmul.f32 $1.000000010e+24, v0  }
0x20c: {  	v0 =	vmul.f32 v48, v13;
	v13 =	vld [tilespmem:s8+$0x4000];
	v48 =	vcvt.f32.s32 v11  }
0x20d: {  	v34 =	vmul.f32 $1.000000000e+03, v34;
	v25 =	vcvt.s32.f32 v6;
	v11 =	vadd.f32 v10, v14  }
0x20e: {  	v10 =	vadd.f32 v15, v18;
	v15 =	vcvt.s32.f32 v48;
	v27 =	vmul.f32 $1.000000000e+03, v16  }
0x20f: {  	v14 =	vld [tilespmem:s25+$0x4200];
	v16 =	vmul.f32 v59, v0;
	v0 =	vmul.f32 v20, v2  }
0x210: {  	v26 =	vmul.f32 $1.000000000e+03, v26;
	v2 =	vtrunc.f32 v27  }
0x211: {  	v7 =	vsub.f32 v28, v7;
	v19 =	vld.idx.msk [tilespmem:v19+s13+$0x0], $0xffff;
	v16 =	vmul.f32 v9, v16;
	v62 =	vmul.f32 $1.000000000e+03, v13  }
0x212: {  	v23 =	vld [tilespmem:s25+$0x4080];
	v13 =	vtrunc.f32 v46;
	v2 =	vcvt.f32.s32 v2  }
0x213: {  	v47 =	vld [tilespmem:s28+$0x4080];
	v9 =	vmul.f32 v7, v9;
	v53 =	vtrunc.f32 v26  }
0x214: {  	v20 =	vld [tilespmem:s25+$0x4100];
	v14 =	vmul.f32 $1.000000000e+03, v14;
	v50 =	vcvt.f32.s32 v13  }
0x215: {  	v40 =	vcvt.f32.s32 v53;
	v12 =	vtrunc.f32 v62  }
0x216: {  	v60 =	vld [tilespmem:s9+$0x4080];
	v17 =	vsub.f32 v17, v15;
	v53 =	vcvt.s32.f32 v45;
	v49 =	vcvt.f32.s32 v12  }
0x217: {  	v18 =	vld.idx.msk [tilespmem:v48+s15+$0x0], $0xffff;
	v7 =	vmul.f32 $1.000000010e+24, v16;
	v12 =	vadd.f32 v3, v19;
	v19 =	vmul.f32 $1.000000000e+03, v23  }
0x218: {  	v23 =	vmul.f32 $1.000000000e+03, v47;
	v3 =	vsub.f32 v24, v21;
	v24 =	vcvt.s32.f32 v2;
	v13 =	vld.idx.msk [tilespmem:v2+s15+$0x0], $0xffff  }
0x219: {  	v59 =	vadd.s32 $0x3E9, v40;
	v40 =	vcvt.s32.f32 v40;
	v20 =	vmul.f32 $1.000000000e+03, v20  }
0x21a: {  	v21 =	vcvt.s32.f32 v49;
	v51 =	vld.idx.msk [tilespmem:v2+s13+$0x0], $0xffff;
	v2 =	vsub.f32 v22, v25;
	v25 =	vtrunc.f32 v23  }
0x21b: {  	v28 =	vld.idx.msk [tilespmem:v48+s13+$0x0], $0xffff;
	v24 =	vsub.f32 v27, v24;
	v52 =	vtrunc.f32 v19;
	v25 =	vcvt.f32.s32 v25  }
0x21c: {  	v27 =	vmul.f32 $1.000000000e+03, v60;
	v29 =	vcvt.f32.s32 v52;
	v16 =	vld.idx.msk [tilespmem:v49+s15+$0x0], $0xffff  }
0x21d: {  	v58 =	vmul.f32 v17, v18;
	v15 =	vld.idx.msk [tilespmem:v50+s15+$0x0], $0xffff;
	v54 =	vadd.s32 $0x3E9, v25;
	v24 =	vmul.f32 v24, v13  }
0x21e: {  	v22 =	vcvt.s32.f32 v50;
	v57 =	vcvt.s32.f32 v29;
	v29 =	vadd.s32 $0x3E9, v29;
	v36 =	vld.idx.msk [tilespmem:v49+s13+$0x0], $0xffff  }
0x21f: {  	v52 =	vtrunc.f32 v32;
	v21 =	vsub.f32 v62, v21;
	v24 =	vadd.f32 v24, v51  }
0x220: {  	v55 =	vtrunc.f32 v27;
	v38 =	vld.idx.msk [tilespmem:v50+s13+$0x0], $0xffff;
	v28 =	vadd.f32 v58, v28;
	v22 =	vsub.f32 v46, v22  }
0x221: {  	v30 =	vsub.f32 v30, v53;
	v53 =	vld [tilespmem:s9+$0x4300];
	v31 =	vcvt.f32.s32 v55;
	v21 =	vmul.f32 v21, v16;
	[tilespmem:s28+$0xC000] =	vst v24  }
0x222: {  	v33 =	vsub.f32 v19, v57;
	v19 =	vcvt.s32.f32 v25;
	[tilespmem:s25+$0xC000] =	vst v28;
	v22 =	vmul.f32 v22, v15;
	v17 =	vld.idx.msk [tilespmem:v54+s15+$0x0], $0xffff  }
0x223: {  	v24 =	vcvt.s32.f32 v31;
	v31 =	vadd.s32 $0x3E9, v31;
	v60 =	vadd.f32 v21, v36;
	v21 =	vld.idx.msk [tilespmem:v29+s15+$0x0], $0xffff  }
0x224: {  	v45 =	vadd.s32 $0x7D2, v45;
	v58 =	vcvt.f32.s32 v56;
	v36 =	vcvt.f32.s32 v61;
	v25 =	vld.idx.msk [tilespmem:v54+s13+$0x0], $0xffff  }
0x225: {  	v46 =	vld [tilespmem:s28+$0x4180];
	v23 =	vsub.f32 v23, v19;
	v19 =	vtrunc.f32 v20;
	v22 =	vadd.f32 v22, v38  }
0x226: {  	v53 =	vmul.f32 $1.000000000e+03, v53;
	v62 =	vcvt.f32.s32 v19;
	v29 =	vld.idx.msk [tilespmem:v29+s13+$0x0], $0xffff;
	[tilespmem:s8+$0xC000] =	vst v60;
	v63 =	vadd.s32 $0x7D2, v36  }
0x227: {  	[tilespmem:s9+$0xC000] =	vst v22;
	v24 =	vsub.f32 v27, v24;
	v27 =	vcvt.f32.s32 v52;
	v19 =	vld.idx.msk [tilespmem:v59+s15+$0x0], $0xffff;
	v23 =	vmul.f32 v23, v17  }
0x228: {  	v26 =	vsub.f32 v26, v40;
	v57 =	vtrunc.f32 v37;
	v61 =	vcvt.s32.f32 v58;
	v22 =	vld.idx.msk [tilespmem:v31+s15+$0x0], $0xffff  }
0x229: {  	v43 =	vld.idx.msk [tilespmem:v59+s13+$0x0], $0xffff;
	v47 =	vcvt.s32.f32 v27;
	v33 =	vmul.f32 v33, v21;
	v23 =	vadd.f32 v23, v25  }
0x22a: {  	[tilespmem:s2+$0xC300] =	vst v11;
	v28 =	vadd.s32 $0x7D2, v62;
	v31 =	vld.idx.msk [tilespmem:v31+s13+$0x0], $0xffff;
	v21 =	vmul.f32 v21, v18;
	v25 =	vcvt.s32.f32 v62  }
0x22b: {  	v60 =	vld [tilespmem:s28+$0x4200];
	v11 =	vmul.f32 v17, v13;
	[tilespmem:s28+$0xC080] =	vst v23;
	v23 =	vadd.f32 v33, v29;
	v33 =	vmul.f32 $1.000000000e+03, v46  }
0x22c: {  	v48 =	vsub.f32 v20, v25;
	v25 =	vmul.f32 v26, v19;
	v26 =	vcvt.s32.f32 v36;
	v20 =	vld.idx.msk [tilespmem:v63+s15+$0x0], $0xffff  }
0x22d: {  	v54 =	vadd.s32 $0x7D2, v27;
	v16 =	vmul.f32 v19, v16;
	v29 =	vld [tilespmem:s8+$0x4280];
	v24 =	vmul.f32 v24, v22  }
0x22e: {  	v22 =	vmul.f32 v22, v15;
	v27 =	vld.idx.msk [tilespmem:v63+s13+$0x0], $0xffff;
	[tilespmem:s25+$0xC080] =	vst v23;
	v55 =	vtrunc.f32 v33;
	v26 =	vsub.f32 v42, v26  }
0x22f: {  	v25 =	vadd.f32 v25, v43;
	v24 =	vadd.f32 v24, v31;
	v23 =	vld.idx.msk [tilespmem:v28+s15+$0x0], $0xffff;
	v38 =	vcvt.f32.s32 v55  }
0x230: {  	v36 =	vld [tilespmem:s9+$0x4280];
	v31 =	vadd.s32 $0xBBB, v58;
	v42 =	vmul.f32 $1.000000000e+03, v60;
	v58 =	vtrunc.f32 v44  }
0x231: {  	v28 =	vld.idx.msk [tilespmem:v28+s13+$0x0], $0xffff;
	[tilespmem:s8+$0xC080] =	vst v25;
	v25 =	vcvt.f32.s32 v57;
	v49 =	vadd.s32 $0xBBB, v38;
	v59 =	vmul.f32 v26, v20  }
0x232: {  	v5 =	vld.idx.msk [tilespmem:v5+s13+$0x0], $0xffff;
	v35 =	vsub.f32 v35, v61;
	v56 =	vtrunc.f32 v42;
	v26 =	vtrunc.f32 v39  }
0x233: {  	[tilespmem:s9+$0xC080] =	vst v24;
	v57 =	vtrunc.f32 v14;
	v24 =	vcvt.f32.s32 v26;
	v26 =	vld.idx.msk [tilespmem:v45+s15+$0x0], $0xffff;
	v27 =	vadd.f32 v59, v27  }
0x234: {  	v62 =	vcvt.s32.f32 v25;
	v50 =	vadd.s32 $0xBBB, v25;
	v25 =	vld.idx.msk [tilespmem:v54+s15+$0x0], $0xffff;
	v48 =	vmul.f32 v48, v23  }
0x235: {  	v32 =	vsub.f32 v32, v47;
	v38 =	vcvt.s32.f32 v38;
	v47 =	vcvt.f32.s32 v57;
	v45 =	vld.idx.msk [tilespmem:v45+s13+$0x0], $0xffff;
	[tilespmem:s28+$0xC100] =	vst v27  }
0x236: {  	v55 =	vmul.f32 $1.000000000e+03, v29;
	v36 =	vmul.f32 $1.000000000e+03, v36;
	v28 =	vadd.f32 v48, v28;
	v27 =	vld.idx.msk [tilespmem:v49+s15+$0x0], $0xffff  }
0x237: {  	v46 =	vld.idx.msk [tilespmem:v54+s13+$0x0], $0xffff;
	v11 =	vmul.f32 v20, v11;
	v33 =	vsub.f32 v33, v38;
	v38 =	vcvt.f32.s32 v56  }
0x238: {  	v61 =	vcvt.s32.f32 v47;
	v37 =	vsub.f32 v37, v62;
	v63 =	vld.idx.msk [tilespmem:v49+s13+$0x0], $0xffff;
	v30 =	vmul.f32 v30, v26;
	[tilespmem:s25+$0xC100] =	vst v28  }
0x239: {  	v59 =	vtrunc.f32 v34;
	v21 =	vmul.f32 v23, v21;
	v51 =	vadd.s32 $0xBBB, v24;
	v28 =	vld.idx.msk [tilespmem:v31+s15+$0x0], $0xffff  }
0x23a: {  	v52 =	vld [tilespmem:s28+$0x4280];
	v24 =	vcvt.s32.f32 v24;
	v32 =	vmul.f32 v32, v25;
	v30 =	vadd.f32 v30, v45  }
0x23b: {  	v60 =	vadd.s32 $0xFA4, v38;
	v14 =	vsub.f32 v14, v61;
	v48 =	vld.idx.msk [tilespmem:v31+s13+$0x0], $0xffff;
	v33 =	vmul.f32 v33, v27  }
0x23c: {  	v38 =	vcvt.s32.f32 v38;
	v24 =	vsub.f32 v39, v24;
	v39 =	vld [tilespmem:s8+$0x4300];
	v32 =	vadd.f32 v32, v46;
	[tilespmem:s8+$0xC100] =	vst v30  }
0x23d: {  	v61 =	vtrunc.f32 v41;
	v31 =	vcvt.f32.s32 v58;
	v30 =	vld.idx.msk [tilespmem:v50+s15+$0x0], $0xffff;
	v33 =	vadd.f32 v33, v63  }
0x23e: {  	v62 =	vadd.s32 $0xFA4, v47;
	v49 =	vcvt.f32.s32 v61;
	[tilespmem:s9+$0xC100] =	vst v32;
	v63 =	vld.idx.msk [tilespmem:v50+s13+$0x0], $0xffff;
	v57 =	vmul.f32 v35, v28  }
0x23f: {  	v45 =	vcvt.f32.s32 v59;
	v58 =	vcvt.s32.f32 v31;
	v50 =	vadd.s32 $0xFA4, v31;
	v31 =	vld.idx.msk [tilespmem:v51+s15+$0x0], $0xffff;
	[tilespmem:s28+$0xC180] =	vst v33  }
0x240: {  	v22 =	vmul.f32 v25, v22;
	v59 =	vadd.f32 v57, v48;
	v48 =	vmul.f32 $1.000000000e+03, v52;
	v33 =	vld.idx.msk [tilespmem:v60+s15+$0x0], $0xffff  }
0x241: {  	v16 =	vmul.f32 v26, v16;
	v54 =	vadd.s32 $0xFA4, v45;
	v45 =	vcvt.s32.f32 v45;
	v32 =	vld.idx.msk [tilespmem:v51+s13+$0x0], $0xffff  }
0x242: {  	v38 =	vsub.f32 v42, v38;
	v43 =	vld.idx.msk [tilespmem:v60+s13+$0x0], $0xffff;
	[tilespmem:s25+$0xC180] =	vst v59;
	v37 =	vmul.f32 v37, v30;
	v60 =	vtrunc.f32 v48  }
0x243: {  	v39 =	vmul.f32 $1.000000000e+03, v39;
	v35 =	vsub.f32 v44, v58;
	v29 =	vld.idx.msk [tilespmem:v62+s15+$0x0], $0xffff;
	v42 =	vcvt.f32.s32 v60  }
0x244: {  	v44 =	vsub.f32 v34, v45;
	v45 =	vld.idx.msk [tilespmem:v62+s13+$0x0], $0xffff;
	v24 =	vmul.f32 v24, v31;
	v37 =	vadd.f32 v37, v63  }
0x245: {  	v26 =	vmul.f32 v27, v11;
	v60 =	vld [tilespmem:s28+$0x4300];
	v51 =	vadd.s32 $0x138D, v42;
	v38 =	vmul.f32 v38, v33  }
0x246: {  	v40 =	vld [tilespmem:s25+$0x4300];
	v21 =	vmul.f32 v28, v21;
	v62 =	vtrunc.f32 v55;
	v24 =	vadd.f32 v24, v32;
	[tilespmem:s8+$0xC180] =	vst v37  }
0x247: {  	v63 =	vtrunc.f32 v36;
	v34 =	vcvt.f32.s32 v62;
	v32 =	vld.idx.msk [tilespmem:v50+s15+$0x0], $0xffff;
	v38 =	vadd.f32 v38, v43  }
0x248: {  	v61 =	vcvt.f32.s32 v63;
	v63 =	vadd.s32 $0x138D, v49;
	v57 =	vld.idx.msk [tilespmem:v50+s13+$0x0], $0xffff;
	[tilespmem:s9+$0xC180] =	vst v24;
	v14 =	vmul.f32 v14, v29  }
0x249: {  	v30 =	vmul.f32 v30, v16;
	v50 =	vadd.s32 $0x138D, v34;
	v24 =	vcvt.s32.f32 v34;
	v34 =	vld.idx.msk [tilespmem:v54+s15+$0x0], $0xffff;
	[tilespmem:s28+$0xC200] =	vst v38  }
0x24a: {  	v62 =	vcvt.s32.f32 v49;
	v14 =	vadd.f32 v14, v45;
	v45 =	vmul.f32 $1.000000000e+03, v60;
	v43 =	vld.idx.msk [tilespmem:v51+s15+$0x0], $0xffff  }
0x24b: {  	v42 =	vcvt.s32.f32 v42;
	v37 =	vmul.f32 $1.000000000e+03, v40;
	v58 =	vld.idx.msk [tilespmem:v54+s13+$0x0], $0xffff  }
0x24c: {  	v59 =	vld.idx.msk [tilespmem:v51+s13+$0x0], $0xffff;
	[tilespmem:s25+$0xC200] =	vst v14;
	v35 =	vmul.f32 v35, v32;
	v60 =	vtrunc.f32 v45  }
0x24d: {  	v41 =	vsub.f32 v41, v62;
	v42 =	vsub.f32 v48, v42;
	v14 =	vld.idx.msk [tilespmem:v63+s15+$0x0], $0xffff;
	v48 =	vcvt.f32.s32 v60  }
0x24e: {  	v38 =	vadd.s32 $0x138D, v61;
	v47 =	vld.idx.msk [tilespmem:v63+s13+$0x0], $0xffff;
	v44 =	vmul.f32 v44, v34;
	v35 =	vadd.f32 v35, v57  }
0x24f: {  	v40 =	vcvt.s32.f32 v61;
	v63 =	vld [tilespmem:s28+$0x4380];
	v51 =	vadd.s32 $0x1776, v48;
	v42 =	vmul.f32 v42, v43  }
0x250: {  	v62 =	vtrunc.f32 v39;
	v61 =	vtrunc.f32 v37;
	v44 =	vadd.f32 v44, v58;
	[tilespmem:s8+$0xC200] =	vst v35;
	v35 =	vld [tilespmem:s9+$0x4380]  }
0x251: {  	v36 =	vsub.f32 v36, v40;
	v54 =	vcvt.f32.s32 v61;
	v18 =	vld.idx.msk [tilespmem:v50+s15+$0x0], $0xffff;
	v40 =	vadd.f32 v42, v59  }
0x252: {  	v49 =	vcvt.f32.s32 v62;
	[tilespmem:s9+$0xC200] =	vst v44;
	v50 =	vld.idx.msk [tilespmem:v50+s13+$0x0], $0xffff;
	v41 =	vmul.f32 v41, v14  }
0x253: {  	v24 =	vsub.f32 v55, v24;
	v60 =	vadd.s32 $0x1776, v54;
	v57 =	vtrunc.f32 v53;
	v19 =	vld.idx.msk [tilespmem:v38+s15+$0x0], $0xffff;
	[tilespmem:s28+$0xC280] =	vst v40  }
0x254: {  	v58 =	vcvt.s32.f32 v54;
	v41 =	vadd.f32 v41, v47;
	v47 =	vmul.f32 $1.000000000e+03, v63;
	v42 =	vld.idx.msk [tilespmem:v51+s15+$0x0], $0xffff  }
0x255: {  	v48 =	vcvt.s32.f32 v48;
	v54 =	vadd.s32 $0x1B5F, v8;
	v59 =	vcvt.f32.s32 v57;
	v38 =	vld.idx.msk [tilespmem:v38+s13+$0x0], $0xffff  }
0x256: {  	v63 =	vadd.s32 $0x1776, v49;
	v57 =	vld.idx.msk [tilespmem:v51+s13+$0x0], $0xffff;
	v8 =	vmul.f32 v24, v18;
	v15 =	vtrunc.f32 v47  }
0x257: {  	v56 =	vld [tilespmem:s25+$0x4380];
	v37 =	vsub.f32 v37, v58;
	v45 =	vsub.f32 v45, v48;
	v58 =	vcvt.f32.s32 v15  }
0x258: {  	v46 =	vld [tilespmem:s8+$0x4380];
	v44 =	vadd.s32 $0x1776, v59;
	[tilespmem:s25+$0xC280] =	vst v41;
	v36 =	vmul.f32 v36, v19;
	v50 =	vadd.f32 v8, v50  }
0x259: {  	[tilespmem:s0+$0xC300] =	vst v10;
	v62 =	vcvt.s32.f32 v59;
	v15 =	vld.idx.msk [tilespmem:v60+s15+$0x0], $0xffff;
	v59 =	vadd.s32 $0x1B5F, v58;
	v13 =	vmul.f32 v45, v42  }
0x25a: {  	s21 =	simm.s32 $0x0;
	v26 =	vmul.f32 v33, v26;
	v17 =	vld.idx.msk [tilespmem:v60+s13+$0x0], $0xffff;
	v23 =	vadd.f32 v36, v38;
	[tilespmem:s8+$0xC280] =	vst v50  }
0x25b: {  	s1 =	sand.u32 $0x3FFFFF80, s21;
	[tilespmem:s24+$0xC380] =	vst v12;
	v31 =	vmul.f32 v31, v22;
	v12 =	vmul.f32 $1.000000000e+03, v35;
	v10 =	vld.idx.msk [tilespmem:v63+s15+$0x0], $0xffff;
	v13 =	vadd.f32 v13, v57  }
0x25c: {  	s1 =	sadd.s32 $0x10800, s1;
	v6 =	vadd.s32 $0x1B5F, v6;
	v61 =	vcvt.s32.f32 v49;
	v26 =	vmul.f32 v43, v26;
	v25 =	vld.idx.msk [tilespmem:v63+s13+$0x0], $0xffff;
	[tilespmem:s9+$0xC280] =	vst v23  }
0x25d: {  	s3 =	sor.u32 s23, s1;
	v5 =	vadd.f32 v9, v5;
	v24 =	vmul.f32 $1.000000000e+03, v56;
	v27 =	vtrunc.f32 v12;
	v11 =	vld.idx.msk [tilespmem:v44+s15+$0x0], $0xffff;
	[tilespmem:s28+$0xC300] =	vst v13  }
0x25e: {  	[tilespmem:s3+$0x0] =	vst v4;
	v4 =	vsub.f32 v53, v62;
	v8 =	vmul.f32 $1.000000000e+03, v46;
	v16 =	vcvt.s32.f32 v58;
	v60 =	vld.idx.msk [tilespmem:v59+s15+$0x0], $0xffff  }
0x25f: {  	v20 =	vtrunc.f32 v24;
	v23 =	vmul.f32 v37, v15;
	v13 =	vsub.f32 v39, v61;
	v61 =	vld.idx.msk [tilespmem:v44+s13+$0x0], $0xffff  }
0x260: {  	[tilespmem:s19+$0xC380] =	vst v5;
	v9 =	vtrunc.f32 v8;
	v26 =	vmul.f32 v42, v26;
	v5 =	vsub.f32 v47, v16;
	v62 =	vld.idx.msk [tilespmem:v59+s13+$0x0], $0xffff  }
0x261: {  	s23 =	sor.u32 s18, s1;
	v23 =	vadd.f32 v23, v17;
	v17 =	vmul.f32 v13, v10;
	v13 =	vcvt.f32.s32 v20  }
0x262: {  	[tilespmem:s23+$0x0] =	vst v7;
	v7 =	vld.idx.msk [tilespmem:v6+s15+$0x0], $0xffff;
	v20 =	vcvt.f32.s32 v27;
	v4 =	vmul.f32 v4, v11  }
0x263: {  	v6 =	vld.idx.msk [tilespmem:v6+s13+$0x0], $0xffff;
	v25 =	vadd.f32 v17, v25;
	v16 =	vadd.s32 $0x1B5F, v13;
	v63 =	vmul.f32 v5, v60  }
0x264: {  	s24 =	simm.s32 $0x40;
	v22 =	vld.idx.msk [tilespmem:v54+s15+$0x0], $0xffff;
	[tilespmem:s25+$0xC300] =	vst v23;
	v17 =	vcvt.f32.s32 v9;
	v28 =	vadd.f32 v4, v61;
	v27 =	vmul.f32 v60, v26  }
0x265: {  	s18 =	sor.u32 s10, s1;
	s3 =	sand.u32 $0x3FFFFF80, s24;
	[tilespmem:s8+$0xC300] =	vst v25;
	v5 =	vmul.f32 v29, v21;
	v26 =	vmul.f32 v32, v30;
	v23 =	vadd.f32 v63, v62  }
0x266: {  	s10 =	sor.u32 s16, s1;
	s19 =	simm.s32 $0x4;
	s16 =	sadd.s32 $0x10800, s3;
	v9 =	vld.idx.msk [tilespmem:v54+s13+$0x0], $0xffff;
	v4 =	vadd.s32 $0x1B5F, v17;
	v25 =	vmul.f32 v34, v31;
	[tilespmem:s9+$0xC300] =	vst v28;
	v21 =	vmul.f32 $1.000000010e+24, v27  }
.LBB2_9:
0x267: {  	s19 =	sadd.s32 $0x4, s19;
	v14 =	vmul.f32 v14, v5;
	v18 =	vmul.f32 v18, v26;
	v5 =	vadd.s32 $0x1B5F, v20;
	[tilespmem:s28+$0xC380] =	vst v23;
	s1 =	sor.u32 s14, s16;
	s26 =	sadd.s32 $0x40, s26  }
0x268: {  	v13 =	vcvt.s32.f32 v13;
	s23 =	sor.u32 s6, s16;
	s3 =	sshll.u32 s19, $0x7;
	v23 =	vld.idx.msk [tilespmem:v16+s15+$0x0], $0xffff;
	s6 =	sand.u32 $0x40, s26;
	v19 =	vmul.f32 v19, v25;
	[tilespmem:s1+$0x0] =	vst v21  }
0x269: {  	v17 =	vcvt.s32.f32 v17;
	v20 =	vcvt.s32.f32 v20;
	s1 =	sand.u32 $0xFFFFFC00, s3;
	s3 =	sor.u32 $0x10, s6;
	s14 =	sor.u32 $0x30, s6;
	v16 =	vld.idx.msk [tilespmem:v16+s13+$0x0], $0xffff  }
0x26a: {  	s11 =	sor.u32 $0x20, s6;
	v14 =	vmul.f32 v15, v14;
	v13 =	vsub.f32 v24, v13;
	v10 =	vmul.f32 v10, v18;
	s5 =	sor.u32 s6, s1;
	s28 =	sor.u32 s1, s14  }
0x26b: {  	s21 =	sor.u32 s12, s16;
	v8 =	vsub.f32 v8, v17;
	v12 =	vsub.f32 v12, v20;
	s24 =	sor.u32 s1, s3;
	s1 =	sor.u32 s1, s11;
	v11 =	vmul.f32 v11, v19;
	v15 =	vld [tilespmem:s28+$0x4000]  }
0x26c: {  	s16 =	sor.u32 s7, s16;
	p0 =	slt.u32 s19, $0x7C;
	v18 =	vmul.f32 v22, v1;
	v19 =	vmul.f32 v3, v22;
	s12 =	smov.u32 s3;
	v1 =	vmov v10;
	v17 =	vld [tilespmem:s5+$0x4000]  }
0x26d: {  	v20 =	vmul.f32 v7, v0;
	v7 =	vmul.f32 v2, v7;
	s7 =	smov.u32 s11;
	v3 =	vmovc v8;
	v2 =	vmovc v12;
	v0 =	vmov v11;
	v10 =	vld [tilespmem:s24+$0x4000]  }
0x26e: {  	v9 =	vadd.f32 v19, v9;
	v11 =	vmul.f32 v23, v14;
	v12 =	vmul.f32 v13, v23;
	v8 =	vld [tilespmem:s1+$0x4000]  }
0x26f: {  	v6 =	vadd.f32 v7, v6;
	v7 =	vmul.f32 $1.000000010e+24, v20;
	v14 =	vmul.f32 $1.000000010e+24, v18;
	v13 =	vld [tilespmem:s5+$0x4080]  }
0x270: {  	v12 =	vadd.f32 v12, v16;
	v11 =	vmul.f32 $1.000000010e+24, v11;
	v18 =	vld [tilespmem:s24+$0x4080];
	v15 =	vmul.f32 $1.000000000e+03, v15;
	[tilespmem:s2+$0xC380] =	vst v9;
	s2 =	smov.u32 s8;
	s8 =	smov.u32 s24  }
0x271: {  	v9 =	vmul.f32 $1.000000000e+03, v17;
	v16 =	vld [tilespmem:s1+$0x4080];
	[tilespmem:s18+$0x0] =	vst v14;
	s18 =	smov.u32 s21  }
0x272: {  	v17 =	vld [tilespmem:s5+$0x4100];
	v10 =	vmul.f32 $1.000000000e+03, v10;
	v14 =	vtrunc.f32 v15;
	[tilespmem:s25+$0xC380] =	vst v12;
	s25 =	smov.u32 s5  }
0x273: {  	v12 =	vld [tilespmem:s8+$0x4100];
	v8 =	vmul.f32 $1.000000000e+03, v8;
	v19 =	vcvt.f32.s32 v14;
	[tilespmem:s23+$0x0] =	vst v11  }
0x274: {  	v11 =	vtrunc.f32 v9;
	v14 =	vtrunc.f32 v10;
	v20 =	vld [tilespmem:s1+$0x4100];
	[tilespmem:s0+$0xC380] =	vst v6;
	s0 =	smov.u32 s9;
	s9 =	smov.u32 s1  }
0x275: {  	v11 =	vcvt.f32.s32 v11;
	v6 =	vtrunc.f32 v8;
	v21 =	vld [tilespmem:s28+$0x4080];
	[tilespmem:s10+$0x0] =	vst v7;
	s10 =	smov.u32 s16  }
0x276: {  	v23 =	vcvt.f32.s32 v14;
	v22 =	vld [tilespmem:s25+$0x4180];
	v24 =	vcvt.f32.s32 v6  }
0x277: {  	v13 =	vmul.f32 $1.000000000e+03, v13;
	v6 =	vcvt.s32.f32 v11;
	v25 =	vld [tilespmem:s8+$0x4180]  }
0x278: {  	v7 =	vcvt.s32.f32 v23;
	v26 =	vcvt.s32.f32 v24;
	v27 =	vld [tilespmem:s9+$0x4180]  }
0x279: {  	v18 =	vmul.f32 $1.000000000e+03, v18;
	v16 =	vmul.f32 $1.000000000e+03, v16;
	v9 =	vsub.f32 v9, v6;
	v6 =	vld.idx.msk [tilespmem:v19+s15+$0x0], $0xffff  }
0x27a: {  	v28 =	vsub.f32 v10, v7;
	v14 =	vld [tilespmem:s25+$0x4200];
	v26 =	vsub.f32 v8, v26;
	v21 =	vmul.f32 $1.000000000e+03, v21  }
0x27b: {  	v29 =	vcvt.s32.f32 v19;
	v8 =	vtrunc.f32 v13;
	v19 =	vld.idx.msk [tilespmem:v19+s13+$0x0], $0xffff  }
0x27c: {  	v30 =	vtrunc.f32 v18;
	v10 =	vld.idx.msk [tilespmem:v11+s15+$0x0], $0xffff;
	v31 =	vtrunc.f32 v21  }
0x27d: {  	v15 =	vsub.f32 v15, v29;
	v32 =	vtrunc.f32 v16;
	v7 =	vld.idx.msk [tilespmem:v23+s15+$0x0], $0xffff;
	v29 =	vcvt.f32.s32 v31  }
0x27e: {  	v30 =	vcvt.f32.s32 v30;
	v31 =	vcvt.f32.s32 v8;
	v8 =	vld.idx.msk [tilespmem:v24+s15+$0x0], $0xffff  }
0x27f: {  	v32 =	vcvt.f32.s32 v32;
	v15 =	vmul.f32 v15, v6;
	v11 =	vld.idx.msk [tilespmem:v11+s13+$0x0], $0xffff;
	v33 =	vadd.s32 $0x3E9, v29  }
0x280: {  	v35 =	vadd.s32 $0x3E9, v30;
	v34 =	vcvt.s32.f32 v31;
	v31 =	vadd.s32 $0x3E9, v31;
	v36 =	vld [tilespmem:s28+$0x4100]  }
0x281: {  	v30 =	vcvt.s32.f32 v30;
	v37 =	vadd.s32 $0x3E9, v32;
	v15 =	vadd.f32 v15, v19;
	v23 =	vld.idx.msk [tilespmem:v23+s13+$0x0], $0xffff  }
0x282: {  	v19 =	vmul.f32 v9, v10;
	v34 =	vsub.f32 v13, v34;
	v9 =	vcvt.s32.f32 v32;
	v24 =	vld.idx.msk [tilespmem:v24+s13+$0x0], $0xffff  }
0x283: {  	v17 =	vmul.f32 $1.000000000e+03, v17;
	v13 =	vmul.f32 v28, v7;
	v28 =	vsub.f32 v18, v30;
	v30 =	vld [tilespmem:s8+$0x4200];
	[tilespmem:s28+$0xC000] =	vst v15  }
0x284: {  	v32 =	vmul.f32 $1.000000000e+03, v12;
	v12 =	vmul.f32 v26, v8;
	v16 =	vsub.f32 v16, v9;
	v9 =	vld.idx.msk [tilespmem:v33+s15+$0x0], $0xffff  }
0x285: {  	v11 =	vadd.f32 v19, v11;
	v19 =	vmul.f32 $1.000000000e+03, v20;
	v26 =	vld [tilespmem:s9+$0x4200];
	v20 =	vmul.f32 $1.000000000e+03, v36  }
0x286: {  	v29 =	vcvt.s32.f32 v29;
	v15 =	vtrunc.f32 v17;
	v33 =	vld.idx.msk [tilespmem:v33+s13+$0x0], $0xffff  }
0x287: {  	[tilespmem:s25+$0xC000] =	vst v11;
	v18 =	vld [tilespmem:s25+$0x4280];
	v11 =	vadd.f32 v13, v23;
	v23 =	vtrunc.f32 v32;
	v36 =	vtrunc.f32 v20  }
0x288: {  	v21 =	vsub.f32 v21, v29;
	v24 =	vadd.f32 v12, v24;
	v13 =	vld.idx.msk [tilespmem:v31+s15+$0x0], $0xffff;
	v29 =	vcvt.f32.s32 v36  }
0x289: {  	v15 =	vcvt.f32.s32 v15;
	v31 =	vld.idx.msk [tilespmem:v31+s13+$0x0], $0xffff;
	[tilespmem:s8+$0xC000] =	vst v11;
	v11 =	vtrunc.f32 v19  }
0x28a: {  	v23 =	vcvt.f32.s32 v23;
	v21 =	vmul.f32 v21, v9;
	v12 =	vld.idx.msk [tilespmem:v35+s15+$0x0], $0xffff;
	[tilespmem:s9+$0xC000] =	vst v24;
	v24 =	vadd.s32 $0x7D2, v29  }
0x28b: {  	v38 =	vadd.s32 $0x7D2, v15;
	v36 =	vcvt.s32.f32 v15;
	v11 =	vcvt.f32.s32 v11;
	v39 =	vld [tilespmem:s28+$0x4180]  }
0x28c: {  	v40 =	vcvt.s32.f32 v23;
	v23 =	vadd.s32 $0x7D2, v23;
	v21 =	vadd.f32 v21, v33;
	v15 =	vld.idx.msk [tilespmem:v37+s15+$0x0], $0xffff  }
0x28d: {  	v33 =	vsub.f32 v17, v36;
	v36 =	vadd.s32 $0x7D2, v11;
	v17 =	vld.idx.msk [tilespmem:v35+s13+$0x0], $0xffff;
	v35 =	vcvt.s32.f32 v11  }
0x28e: {  	v22 =	vmul.f32 $1.000000000e+03, v22;
	v32 =	vsub.f32 v32, v40;
	v34 =	vmul.f32 v34, v13;
	v37 =	vld.idx.msk [tilespmem:v37+s13+$0x0], $0xffff;
	[tilespmem:s28+$0xC080] =	vst v21  }
0x28f: {  	v21 =	vmul.f32 $1.000000000e+03, v25;
	v25 =	vmul.f32 $1.000000000e+03, v27;
	v19 =	vsub.f32 v19, v35;
	v11 =	vld.idx.msk [tilespmem:v24+s15+$0x0], $0xffff  }
0x290: {  	v27 =	vadd.f32 v34, v31;
	v28 =	vmul.f32 v28, v12;
	v31 =	vld [tilespmem:s8+$0x4280];
	v34 =	vmul.f32 $1.000000000e+03, v39  }
0x291: {  	v29 =	vcvt.s32.f32 v29;
	v35 =	vtrunc.f32 v22;
	v24 =	vld.idx.msk [tilespmem:v24+s13+$0x0], $0xffff  }
0x292: {  	[tilespmem:s25+$0xC080] =	vst v27;
	v27 =	vmul.f32 v16, v15;
	v39 =	vld [tilespmem:s9+$0x4280];
	v40 =	vtrunc.f32 v34  }
0x293: {  	v20 =	vsub.f32 v20, v29;
	v17 =	vadd.f32 v28, v17;
	v16 =	vld.idx.msk [tilespmem:v38+s15+$0x0], $0xffff;
	v28 =	vcvt.f32.s32 v40  }
0x294: {  	v29 =	vld.idx.msk [tilespmem:v38+s13+$0x0], $0xffff;
	v38 =	vtrunc.f32 v21;
	v27 =	vadd.f32 v27, v37;
	v37 =	vtrunc.f32 v25  }
0x295: {  	v35 =	vcvt.f32.s32 v35;
	v40 =	vld [tilespmem:s25+$0x4300];
	[tilespmem:s8+$0xC080] =	vst v17;
	v17 =	vmul.f32 v20, v11;
	v41 =	vadd.s32 $0xBBB, v28  }
0x296: {  	v38 =	vcvt.f32.s32 v38;
	[tilespmem:s9+$0xC080] =	vst v27;
	v27 =	vcvt.f32.s32 v37;
	v37 =	vld [tilespmem:s28+$0x4200]  }
0x297: {  	v42 =	vcvt.s32.f32 v35;
	v35 =	vadd.s32 $0xBBB, v35;
	v20 =	vld.idx.msk [tilespmem:v23+s15+$0x0], $0xffff;
	v24 =	vadd.f32 v17, v24  }
0x298: {  	v43 =	vcvt.s32.f32 v38;
	v38 =	vadd.s32 $0xBBB, v38;
	v17 =	vld.idx.msk [tilespmem:v36+s15+$0x0], $0xffff;
	v44 =	vadd.s32 $0xBBB, v27  }
0x299: {  	v22 =	vsub.f32 v22, v42;
	v33 =	vmul.f32 v33, v16;
	v42 =	vld.idx.msk [tilespmem:v23+s13+$0x0], $0xffff;
	v23 =	vcvt.s32.f32 v27;
	[tilespmem:s28+$0xC100] =	vst v24  }
0x29a: {  	v14 =	vmul.f32 $1.000000000e+03, v14;
	v24 =	vsub.f32 v21, v43;
	v27 =	vmul.f32 $1.000000000e+03, v30;
	v21 =	vld.idx.msk [tilespmem:v41+s15+$0x0], $0xffff  }
0x29b: {  	v29 =	vadd.f32 v33, v29;
	v30 =	vld.idx.msk [tilespmem:v36+s13+$0x0], $0xffff;
	v33 =	vsub.f32 v25, v23;
	v36 =	vmul.f32 $1.000000000e+03, v37  }
0x29c: {  	v37 =	vmul.f32 $1.000000000e+03, v26;
	v25 =	vcvt.s32.f32 v28;
	v26 =	vld.idx.msk [tilespmem:v41+s13+$0x0], $0xffff  }
0x29d: {  	v28 =	vmul.f32 v32, v20;
	[tilespmem:s25+$0xC100] =	vst v29;
	v32 =	vld [tilespmem:s8+$0x4300];
	v29 =	vtrunc.f32 v36  }
0x29e: {  	v19 =	vmul.f32 v19, v17;
	v25 =	vsub.f32 v34, v25;
	v23 =	vld.idx.msk [tilespmem:v35+s15+$0x0], $0xffff;
	v29 =	vcvt.f32.s32 v29  }
0x29f: {  	v41 =	vtrunc.f32 v27;
	v28 =	vadd.f32 v28, v42;
	v34 =	vld.idx.msk [tilespmem:v35+s13+$0x0], $0xffff;
	v35 =	vtrunc.f32 v14  }
0x2a0: {  	v42 =	vtrunc.f32 v37;
	v45 =	vmul.f32 v25, v21;
	v43 =	vld [tilespmem:s9+$0x4300];
	v46 =	vadd.s32 $0xFA4, v29  }
0x2a1: {  	v35 =	vcvt.f32.s32 v35;
	v19 =	vadd.f32 v19, v30;
	[tilespmem:s8+$0xC100] =	vst v28;
	v28 =	vcvt.f32.s32 v41;
	v30 =	vld [tilespmem:s28+$0x4280]  }
0x2a2: {  	v18 =	vmul.f32 $1.000000000e+03, v18;
	v41 =	vcvt.f32.s32 v42;
	v42 =	vadd.f32 v45, v26;
	v25 =	vld.idx.msk [tilespmem:v38+s15+$0x0], $0xffff  }
0x2a3: {  	v45 =	vcvt.s32.f32 v35;
	v35 =	vadd.s32 $0xFA4, v35;
	v38 =	vld.idx.msk [tilespmem:v38+s13+$0x0], $0xffff;
	v47 =	vadd.s32 $0xFA4, v28;
	[tilespmem:s9+$0xC100] =	vst v19  }
0x2a4: {  	v19 =	vmul.f32 v22, v23;
	v22 =	vcvt.s32.f32 v28;
	v48 =	vadd.s32 $0xFA4, v41;
	v26 =	vld.idx.msk [tilespmem:v44+s15+$0x0], $0xffff;
	[tilespmem:s28+$0xC180] =	vst v42  }
0x2a5: {  	v31 =	vmul.f32 $1.000000000e+03, v31;
	v41 =	vcvt.s32.f32 v41;
	v14 =	vsub.f32 v14, v45;
	v28 =	vld.idx.msk [tilespmem:v46+s15+$0x0], $0xffff  }
0x2a6: {  	v19 =	vadd.f32 v19, v34;
	v22 =	vsub.f32 v27, v22;
	v34 =	vld.idx.msk [tilespmem:v44+s13+$0x0], $0xffff;
	v42 =	vmul.f32 $1.000000000e+03, v30  }
0x2a7: {  	v39 =	vmul.f32 $1.000000000e+03, v39;
	v29 =	vcvt.s32.f32 v29;
	v37 =	vsub.f32 v37, v41;
	v30 =	vld.idx.msk [tilespmem:v46+s13+$0x0], $0xffff  }
0x2a8: {  	[tilespmem:s25+$0xC180] =	vst v19;
	v41 =	vld [tilespmem:s25+$0x4380];
	v19 =	vmul.f32 v24, v25;
	v24 =	vtrunc.f32 v42  }
0x2a9: {  	v29 =	vsub.f32 v36, v29;
	v44 =	vtrunc.f32 v18;
	v27 =	vld.idx.msk [tilespmem:v35+s15+$0x0], $0xffff;
	v24 =	vcvt.f32.s32 v24  }
0x2aa: {  	v36 =	vtrunc.f32 v31;
	v33 =	vmul.f32 v33, v26;
	v35 =	vld.idx.msk [tilespmem:v35+s13+$0x0], $0xffff;
	v19 =	vadd.f32 v19, v38  }
0x2ab: {  	v45 =	vtrunc.f32 v39;
	v46 =	vmul.f32 v29, v28;
	v38 =	vld [tilespmem:s8+$0x4380];
	v49 =	vadd.s32 $0x138D, v24  }
0x2ac: {  	v44 =	vcvt.f32.s32 v44;
	v33 =	vadd.f32 v33, v34;
	[tilespmem:s8+$0xC180] =	vst v19;
	v19 =	vcvt.f32.s32 v36;
	v34 =	vld [tilespmem:s28+$0x4300]  }
0x2ad: {  	v36 =	vmul.f32 $1.000000000e+03, v40;
	v40 =	vcvt.f32.s32 v45;
	v45 =	vadd.f32 v46, v30;
	v29 =	vld.idx.msk [tilespmem:v47+s15+$0x0], $0xffff  }
0x2ae: {  	v46 =	vcvt.s32.f32 v44;
	v44 =	vadd.s32 $0x138D, v44;
	v47 =	vld.idx.msk [tilespmem:v47+s13+$0x0], $0xffff;
	v50 =	vadd.s32 $0x138D, v19;
	[tilespmem:s9+$0xC180] =	vst v33  }
0x2af: {  	v14 =	vmul.f32 v14, v27;
	v19 =	vcvt.s32.f32 v19;
	v33 =	vadd.s32 $0x138D, v40;
	v30 =	vld.idx.msk [tilespmem:v48+s15+$0x0], $0xffff;
	[tilespmem:s28+$0xC200] =	vst v45  }
0x2b0: {  	v32 =	vmul.f32 $1.000000000e+03, v32;
	v45 =	vsub.f32 v18, v46;
	v18 =	vcvt.s32.f32 v40;
	v40 =	vld.idx.msk [tilespmem:v49+s15+$0x0], $0xffff  }
0x2b1: {  	v14 =	vadd.f32 v14, v35;
	v31 =	vsub.f32 v31, v19;
	v19 =	vld.idx.msk [tilespmem:v48+s13+$0x0], $0xffff;
	v34 =	vmul.f32 $1.000000000e+03, v34  }
0x2b2: {  	v35 =	vsub.f32 v39, v18;
	v39 =	vmul.f32 $1.000000000e+03, v43;
	v18 =	vcvt.s32.f32 v24;
	v24 =	vld.idx.msk [tilespmem:v49+s13+$0x0], $0xffff  }
0x2b3: {  	v22 =	vmul.f32 v22, v29;
	[tilespmem:s25+$0xC200] =	vst v14;
	v43 =	vld [tilespmem:s9+$0x4380];
	v46 =	vtrunc.f32 v34  }
0x2b4: {  	v48 =	vtrunc.f32 v36;
	v18 =	vsub.f32 v42, v18;
	v14 =	vld.idx.msk [tilespmem:v44+s15+$0x0], $0xffff;
	v42 =	vcvt.f32.s32 v46  }
0x2b5: {  	v46 =	vadd.f32 v22, v47;
	v47 =	vtrunc.f32 v32;
	v37 =	vmul.f32 v37, v30;
	v44 =	vld.idx.msk [tilespmem:v44+s13+$0x0], $0xffff  }
0x2b6: {  	v49 =	vtrunc.f32 v39;
	v51 =	vmul.f32 v18, v40;
	v52 =	vadd.s32 $0x1776, v42;
	v22 =	vld.idx.msk [tilespmem:v4+s15+$0x0], $0xffff  }
0x2b7: {  	v48 =	vcvt.f32.s32 v48;
	v19 =	vadd.f32 v37, v19;
	[tilespmem:s8+$0xC200] =	vst v46;
	v46 =	vcvt.f32.s32 v47;
	v37 =	vld [tilespmem:s28+$0x4380]  }
0x2b8: {  	v10 =	vmul.f32 v13, v10;
	v13 =	vcvt.f32.s32 v49;
	v24 =	vadd.f32 v51, v24;
	v18 =	vld.idx.msk [tilespmem:v50+s15+$0x0], $0xffff  }
0x2b9: {  	v47 =	vcvt.s32.f32 v48;
	v48 =	vadd.s32 $0x1776, v48;
	v49 =	vld.idx.msk [tilespmem:v50+s13+$0x0], $0xffff;
	v50 =	vadd.s32 $0x1776, v46;
	[tilespmem:s9+$0xC200] =	vst v19  }
0x2ba: {  	v51 =	vadd.s32 $0x1776, v13;
	v45 =	vmul.f32 v45, v14;
	v46 =	vcvt.s32.f32 v46;
	v19 =	vld.idx.msk [tilespmem:v33+s15+$0x0], $0xffff;
	[tilespmem:s28+$0xC280] =	vst v24  }
0x2bb: {  	v36 =	vsub.f32 v36, v47;
	v47 =	vmul.f32 v12, v7;
	v7 =	vcvt.s32.f32 v13;
	v53 =	vld.idx.msk [tilespmem:v52+s15+$0x0], $0xffff  }
0x2bc: {  	v13 =	vmul.f32 v15, v8;
	v12 =	vadd.f32 v45, v44;
	v33 =	vld.idx.msk [tilespmem:v33+s13+$0x0], $0xffff;
	v37 =	vmul.f32 $1.000000000e+03, v37  }
0x2bd: {  	v8 =	vcvt.s32.f32 v42;
	v32 =	vsub.f32 v32, v46;
	v39 =	vsub.f32 v39, v7;
	v42 =	vld.idx.msk [tilespmem:v52+s13+$0x0], $0xffff  }
0x2be: {  	[tilespmem:s25+$0xC280] =	vst v12;
	v12 =	vmul.f32 v31, v18;
	v31 =	vtrunc.f32 v37;
	v7 =	vld.idx.msk [tilespmem:v5+s15+$0x0], $0xffff  }
0x2bf: {  	v24 =	vmul.f32 $1.000000000e+03, v41;
	v34 =	vsub.f32 v34, v8;
	v15 =	vld.idx.msk [tilespmem:v48+s15+$0x0], $0xffff;
	v31 =	vcvt.f32.s32 v31  }
0x2c0: {  	v8 =	vmul.f32 $1.000000000e+03, v38;
	v35 =	vmul.f32 v35, v19;
	v41 =	vld.idx.msk [tilespmem:v48+s13+$0x0], $0xffff;
	v12 =	vadd.f32 v12, v49  }
0x2c1: {  	v38 =	vmul.f32 v9, v6;
	v34 =	vmul.f32 v34, v53;
	v44 =	vadd.s32 $0x1B5F, v31;
	v9 =	vld.idx.msk [tilespmem:v4+s13+$0x0], $0xffff  }
0x2c2: {  	v4 =	vmul.f32 v16, v10;
	v16 =	vadd.f32 v35, v33;
	[tilespmem:s8+$0xC280] =	vst v12;
	v12 =	vmul.f32 $1.000000000e+03, v43;
	v6 =	vld.idx.msk [tilespmem:v5+s13+$0x0], $0xffff  }
0x2c3: {  	v5 =	vmul.f32 v20, v47;
	v20 =	vmul.f32 v11, v38;
	v33 =	vadd.f32 v34, v42;
	v10 =	vld.idx.msk [tilespmem:v50+s15+$0x0], $0xffff  }
0x2c4: {  	v17 =	vmul.f32 v17, v13;
	v34 =	vtrunc.f32 v24;
	v35 =	vld.idx.msk [tilespmem:v50+s13+$0x0], $0xffff;
	[tilespmem:s9+$0xC280] =	vst v16  }
0x2c5: {  	v13 =	vmul.f32 v36, v15;
	v16 =	vmul.f32 v21, v20;
	v11 =	vld.idx.msk [tilespmem:v51+s15+$0x0], $0xffff;
	[tilespmem:s28+$0xC300] =	vst v33  }
0x2c6: {  	v20 =	vtrunc.f32 v8;
	v21 =	vtrunc.f32 v12;
	v33 =	vld.idx.msk [tilespmem:v44+s15+$0x0], $0xffff  }
0x2c7: {  	v4 =	vmul.f32 v23, v4;
	v13 =	vadd.f32 v13, v41;
	v16 =	vmul.f32 v28, v16;
	v23 =	vld.idx.msk [tilespmem:v51+s13+$0x0], $0xffff  }
0x2c8: {  	v25 =	vmul.f32 v25, v5;
	v5 =	vcvt.s32.f32 v31;
	v28 =	vld.idx.msk [tilespmem:v44+s13+$0x0], $0xffff  }
0x2c9: {  	v31 =	vmul.f32 v32, v10;
	v16 =	vmul.f32 v40, v16;
	[tilespmem:s25+$0xC300] =	vst v13  }
0x2ca: {  	v5 =	vsub.f32 v37, v5;
	v32 =	vmul.f32 v26, v17;
	v13 =	vcvt.f32.s32 v34  }
.Ltmp6:
0x2cb: {  	v26 =	vadd.f32 v31, v35;
	v31 =	vmul.f32 v39, v11;
	v34 =	vmul.f32 v53, v16;
	(pc) =	sbr.rel @p0 .LBB2_9-.Ltmp6, $4  }
0x2cc: {  	v17 =	vcvt.f32.s32 v20;
	v16 =	vadd.s32 $0x1B5F, v13;
	v35 =	vmul.f32 v5, v33  }
0x2cd: {  	s1 =	sshll.u32 s19, $0x4;
	v20 =	vcvt.f32.s32 v21;
	v31 =	vadd.f32 v31, v23;
	v21 =	vmul.f32 v33, v34;
	[tilespmem:s8+$0xC300] =	vst v26  }
0x2ce: {  	s1 =	sand.u32 $0x3FFFFF80, s1;
	v5 =	vmul.f32 v27, v4;
	v26 =	vmul.f32 v29, v25;
	v23 =	vadd.f32 v35, v28  }
0x2cf: {  	s16 =	sadd.s32 $0x10800, s1;
	v4 =	vadd.s32 $0x1B5F, v17;
	v25 =	vmul.f32 v30, v32;
	v21 =	vmul.f32 $1.000000010e+24, v21;
	[tilespmem:s9+$0xC300] =	vst v31  }
0x2d0: {  	_ =	sdelay $0x2  }
0x2d1: {  	v5 =	vmul.f32 v14, v5;
	v51 =	vadd.s32 $0x1B5F, v20  }
0x2d2: {  	v27 =	vld.idx.msk [tilespmem:v16+s15+$0x0], $0xffff;
	v18 =	vmul.f32 v18, v26;
	v13 =	vcvt.s32.f32 v13  }
0x2d3: {  	v52 =	vld.idx.msk [tilespmem:v16+s13+$0x0], $0xffff;
	v17 =	vcvt.s32.f32 v17;
	v53 =	vcvt.s32.f32 v20  }
0x2d4: {  	v3 =	vmul.f32 v3, v22;
	v1 =	vmul.f32 v22, v1;
	v54 =	vld.idx.msk [tilespmem:v4+s15+$0x0], $0xffff  }
0x2d5: {  	[tilespmem:s28+$0xC380] =	vst v23;
	v56 =	vld.idx.msk [tilespmem:v4+s13+$0x0], $0xffff;
	v2 =	vmul.f32 v2, v7;
	v0 =	vmul.f32 v7, v0  }
0x2d6: {  	s1 =	sor.u32 s14, s16;
	v19 =	vmul.f32 v19, v25;
	v13 =	vsub.f32 v24, v13;
	v3 =	vadd.f32 v3, v9;
	v55 =	vld.idx.msk [tilespmem:v51+s15+$0x0], $0xffff  }
0x2d7: {  	[tilespmem:s1+$0x0] =	vst v21;
	v5 =	vmul.f32 v15, v5;
	v8 =	vsub.f32 v8, v17;
	v2 =	vadd.f32 v2, v6  }
0x2d8: {  	v1 =	vmul.f32 $1.000000010e+24, v1;
	[tilespmem:s2+$0xC380] =	vst v3;
	v13 =	vmul.f32 v13, v27;
	v58 =	vld.idx.msk [tilespmem:v51+s13+$0x0], $0xffff  }
0x2d9: {  	v59 =	vsub.f32 v12, v53;
	v0 =	vmul.f32 $1.000000010e+24, v0;
	[tilespmem:s0+$0xC380] =	vst v2;
	v60 =	vmul.f32 v8, v54  }
0x2da: {  	v11 =	vmul.f32 v11, v19;
	v5 =	vmul.f32 v27, v5;
	[tilespmem:s18+$0x0] =	vst v1;
	v13 =	vadd.f32 v13, v52  }
0x2db: {  	v10 =	vmul.f32 v10, v18;
	[tilespmem:s10+$0x0] =	vst v0;
	v4 =	vadd.f32 v60, v56;
	v62 =	vmul.f32 v59, v55  }
0x2dc: {  	v57 =	vmul.f32 $1.000000010e+24, v5;
	[tilespmem:s25+$0xC380] =	vst v13;
	v63 =	vmul.f32 v55, v11  }
0x2dd: {  	s18 =	sor.u32 s6, s16;
	v61 =	vmul.f32 v54, v10;
	[tilespmem:s8+$0xC380] =	vst v4;
	v1 =	vadd.f32 v62, v58  }
0x2de: {  	s19 =	sor.u32 s12, s16;
	[tilespmem:s18+$0x0] =	vst v57;
	v0 =	vmul.f32 $1.000000010e+24, v63  }
0x2df: {  	s21 =	sor.u32 s7, s16;
	s28 =	rddreg [dreg:$0x3];
	p0 =	seq.s32 s29, $0x7;
	v3 =	vmul.f32 $1.000000010e+24, v61;
	[tilespmem:s9+$0xC380] =	vst v1  }
.Ltmp7:
0x2e0: {  	s23 =	sor.u32 $0x800, s31;
	[tilespmem:s21+$0x0] =	vst v0;
	s21 =	rddreg [dreg:$0x2];
	(pc) =	sbr.rel @p0 .LBB2_12-.Ltmp7, $4  }
0x2e1: {  	s26 =	sshrl.u32 s23, $0x3;
	s25 =	simm.s32 $0xC000;
	[tilespmem:s19+$0x0] =	vst v3;
	s24 =	sadd.s32 s21, s23  }
0x2e2: {  	[hbm4b:s24+s4] =	stream.linear.scatter [tilespmem:s25], [sflag:$0x4], $0x4000, $0x38;
	[tilespmem:$0x14E90] =	vst v63  }
0x2e3: {  	s31 =	simm.s32 $0x10800;
	s0 =	sadd.s32 s28, s26  }
0x2e4: {  	[hbm4b:s0+s4] =	stream.linear.scatter [tilespmem:s31], [sflag:$0x6], $0x800, $0x38;
	[tilespmem:$0x14E90] =	vst v63  }
.Ltmp8:
0x2e5: {  	(pc) =	sbr.rel .LBB2_2-.Ltmp8, $4  }
0x2e6: {  	_ = 	snop  }
0x2e7: {  	s0 =	rddreg [dreg:$0xb]  }
0x2e8: {  	s1 =	simm.s32 $0x4000;
	s29 =	sadd.s32 $0x1, s29;
	s0 =	sadd.s32 s30, s0  }
0x2e9: {  	[tilespmem:s1], [sflag:$0x2] =	stream.linear.gather [hbm4b:s0+s4], $0x4000, $0x38;
	[tilespmem:$0x14E90] =	vst v63  }
.LBB2_13:
0x2ea: {  	_ =	sfence.sel $0x180000  }
0x2eb: {  	[bflag:$0x0] =	sbarrier.arrive $0xFFFF  }
0x2ec: {  	_ =	strace $0x90000047  }
0x2ed: {  	s0 =	stileid.u32;
	[bflag:$0x2] =	sbarrier.arrive $0xFFFF  }
0x2ee: {  	p0 =	sne.s32 s0, $0x0;
	s0 =	rddreg [dreg:$0x4]  }
0x2ef: {  	s0 =	sadd.s32 @!p0 $0x100000, s0  }
0x2f0: {  	[sflag:s0] =	ssyncadd.tile.s32 @!p0 $0x1;
	_ =	shalt  }
.Lfunc_end2:
_tile_overlayer_lowered:
.L_overlay_start_2:
0x2f1: {  	(tag) =	ssettag $0x2  }
0x2f2: {  	s0 =	rddreg [dreg:$0x0];
	s2 =	stileid.u32  }
0x2f3: {  	s1 =	rddreg [dreg:$0x1];
	p0 =	sne.s32 s2, $0x0  }
0x2f4: {  	s3 =	rddreg [dreg:$0x2];
	[bflag:$0x3] =	sbarrier.arrive $0xFFFF;
	s2 =	simm.s32 @!p0 $0x1C07  }
0x2f5: {  	[timem:s3], [sflag:s2] =	dma.local @!p0 [hbm:s0], s1  }
0x2f6: {  	s0 =	simm.s32 @!p0 $0x7  }
0x2f7: {  	_ =	swait.ge @!p0 [sflag:s0], s1  }
0x2f8: {  	s1 =	ssub.s32 @!p0 $0x0, s1;
	[sflag:s0] =	ssyncset.done @!p0 $0x0  }
0x2f9: {  	[sflag:s0] =	ssyncadd.s32 @!p0 s1  }
0x2fa: {  	[bflag:$0x3] =	sbarrier.arrive $0xFFFF  }
0x2fb: {  	_ =	shalt  }

</sc_bundles>
